<compile_context>
chip_gen: v7x
topology: tpu7x:2x2x1
jax: 0.10.2.dev20260603
libtpu: 0.0.44.dev20260713+nightly
codegen_flags: <defaults>
</compile_context>

<pallas_src>
import functools

import jax
import jax.numpy as jnp
from jax import lax
from jax.experimental import pallas as pl
from jax.experimental.pallas import tpu as pltpu
from jax.experimental.pallas import tpu_sc as plsc

B = 4
C_FEAT = 256
N = 16384
P = 4096
ROWS = N // 128


def _lane_iota(shape, dim):
    return lax.broadcasted_iota(jnp.int32, shape, dim)


def _fps_body(pos_ref, idx_ref, dist_ref):
    lane1 = _lane_iota((B, 1, 128), 2)
    BIG = jnp.int32(1 << 30)

    def merge(a, b):
        va, na = a[0], a[1]
        vb, nb = b[0], b[1]
        t = (vb > va) | ((vb == va) & (nb < na))
        return tuple(jnp.where(t, q, p) for p, q in zip(a, b))

    dist_ref[...] = jnp.full((B, 128, 128), 1e10, dtype=jnp.float32)
    lx0 = pos_ref[:, 0, 0:1, 0:1]
    ly0 = pos_ref[:, 1, 0:1, 0:1]
    lz0 = pos_ref[:, 2, 0:1, 0:1]
    rowbuf0 = jnp.zeros((B, 1, 128), dtype=jnp.int32)

    iota8 = _lane_iota((B, 8, 128), 1) + 128 * _lane_iota((B, 8, 128), 2)

    def body(i, carry):
        lxv, lyv, lzv, rowbuf = carry
        row_i = i // 128
        col_i = i - row_i * 128

        acc = None
        for r in range(16):
            sl = slice(8 * r, 8 * r + 8)
            xs = pos_ref[:, 0, sl, :]
            ys = pos_ref[:, 1, sl, :]
            zs = pos_ref[:, 2, sl, :]
            dx = xs - lxv
            dy = ys - lyv
            dz = zs - lzv
            d = (dx * dx + dy * dy) + dz * dz
            dn = jnp.minimum(dist_ref[:, sl, :], d)
            dist_ref[:, sl, :] = dn
            cand = (dn, iota8 + 8 * r, xs, ys, zs)
            if acc is None:
                acc = cand
            else:
                t = cand[0] > acc[0]
                acc = tuple(jnp.where(t, q, p) for p, q in zip(acc, cand))

        for s in (4, 2, 1):
            rolled = tuple(pltpu.roll(f, s, axis=1) for f in acc)
            acc = merge(acc, rolled)
        cv, cn, cx, cy, cz = (f[:, :1] for f in acc)

        m = jnp.max(cv, axis=2, keepdims=True)

        mask = cv == m
        kn = jnp.where(mask, cn, BIG)
        pref = cn << 16

        def halves(c):
            bits = lax.bitcast_convert_type(c, jnp.int32)
            hi = jnp.where(mask, pref | (bits >> 16), BIG)
            lo = jnp.where(mask, pref | (bits & 0xFFFF), BIG)
            return hi, lo

        def redmin(k):
            return jnp.min(k, axis=2, keepdims=True)

        def unpack(hi, lo):
            bits = ((hi & 0xFFFF) << 16) | (lo & 0xFFFF)
            return lax.bitcast_convert_type(bits, jnp.float32)

        kxh, kxl = halves(cx)
        kyh, kyl = halves(cy)
        kzh, kzl = halves(cz)
        nxt = redmin(kn)
        nlx = unpack(redmin(kxh), redmin(kxl))
        nly = unpack(redmin(kyh), redmin(kyl))
        nlz = unpack(redmin(kzh), redmin(kzl))

        rowbuf = jnp.where(lane1 == col_i, nxt, rowbuf)
        idx_ref[:, pl.ds(row_i, 1), :] = rowbuf
        return (nlx, nly, nlz, rowbuf)

    lax.fori_loop(1, P, body, (lx0, ly0, lz0, rowbuf0))


def _fps_indices(pos4):
    return pl.pallas_call(
        _fps_body,
        out_shape=jax.ShapeDtypeStruct((B, P // 128, 128), jnp.int32),
        scratch_shapes=[pltpu.VMEM((B, 128, 128), jnp.float32)],
    )(pos4)


def _make_gather_kernel():
    mesh = plsc.VectorSubcoreMesh(core_axis_name="c", subcore_axis_name="s")

    @functools.partial(
        pl.kernel,
        mesh=mesh,
        out_type=[
            jax.ShapeDtypeStruct((B, C_FEAT, P), jnp.float32),
            jax.ShapeDtypeStruct((B, 3, P), jnp.float32),
        ],
        scratch_types=[
            pltpu.VMEM((P,), jnp.int32),
            pltpu.VMEM((P,), jnp.float32),
            pltpu.VMEM((P,), jnp.float32),
            pltpu.SemaphoreType.DMA,
            pltpu.SemaphoreType.DMA,
            pltpu.SemaphoreType.DMA,
            pltpu.SemaphoreType.DMA,
        ],
        compiler_params=pltpu.CompilerParams(use_tc_tiling_on_sc=False),
    )
    def gather_k(x_hbm, pos_hbm, idx_hbm, xout_hbm, pout_hbm,
                 idx_v, out0, out1, gs0, gs1, ws0, ws1):
        cid = lax.axis_index("c")
        sid = lax.axis_index("s")
        wid = sid * 2 + cid

        b = wid // 8
        base = (wid % 8) * 32
        pltpu.sync_copy(idx_hbm.at[b], idx_v)

        outs = (out0, out1)
        gss = (gs0, gs1)
        wss = (ws0, ws1)

        pltpu.async_copy(x_hbm.at[b, base].at[idx_v], out0, gs0)
        pltpu.async_copy(x_hbm.at[b, base + 1].at[idx_v], out1, gs1)

        def step(j, _):
            for p in range(2):
                ch = base + 2 * j + p
                pltpu.make_async_copy(
                    x_hbm.at[b, ch].at[idx_v], outs[p], gss[p]
                ).wait()
                pltpu.async_copy(outs[p], xout_hbm.at[b, ch], wss[p])
            for p in range(2):
                k = 2 * j + p + 2

                @pl.when(k < 32)
                def _():
                    ch = base + k
                    pltpu.make_async_copy(
                        outs[p], xout_hbm.at[b, ch - 2], wss[p]
                    ).wait()
                    pltpu.async_copy(x_hbm.at[b, ch].at[idx_v], outs[p], gss[p])

            return 0

        lax.fori_loop(0, 16, step, 0)
        pltpu.make_async_copy(out0, xout_hbm.at[b, base + 30], ws0).wait()
        pltpu.make_async_copy(out1, xout_hbm.at[b, base + 31], ws1).wait()

        @pl.when(wid < 12)
        def _():
            b2 = wid // 3
            c2 = wid - b2 * 3
            pltpu.sync_copy(idx_hbm.at[b2], idx_v)
            pltpu.async_copy(pos_hbm.at[b2, c2].at[idx_v], out0, gs0).wait()
            pltpu.sync_copy(out0, pout_hbm.at[b2, c2])

    return gather_k


def _prep_pos(pos3):
    return jnp.swapaxes(pos3.reshape(B, 3, ROWS, 128), 2, 3)


def kernel(pos, x):
    pos3 = pos[..., 0]
    x3 = x[..., 0]
    idx = _fps_indices(_prep_pos(pos3)).reshape(B, P)
    xg, pg = _make_gather_kernel()(x3, pos3, idx)
    return (xg[..., None], pg[..., None])

# --- scband reference (transcript-rebuilt; emitter-appended) ---
"""Pipeline reference for scband-graph-down-sampling-layer-76716705841224 (READ-ONLY COPY).

The authoritative reference and input builder live on the scoring server;
editing this copy changes nothing except your own understanding.
"""

import jax, jax.numpy as jnp
import numpy as np

NUM_POINTS = 4096


def furthest_point_sample(points, num_points):
    # points: [N, 3]; classic FPS starting from index 0 (matches pointnet2 CUDA kernel)
    N = points.shape[0]
    dists0 = jnp.full((N,), 1e10, dtype=points.dtype)
    idxs0 = jnp.zeros((num_points,), dtype=jnp.int32)

    def body(i, state):
        idxs, dists = state
        last = points[idxs[i - 1]]
        d = jnp.sum((points - last[None, :]) ** 2, axis=1)
        dists = jnp.minimum(dists, d)
        nxt = jnp.argmax(dists).astype(jnp.int32)
        idxs = idxs.at[i].set(nxt)
        return (idxs, dists)

    idxs, _ = jax.lax.fori_loop(1, num_points, body, (idxs0, dists0))
    return idxs


def setup_inputs(seed: int = 0) -> dict:
    key = jax.random.key(seed)
    k1, k2 = jax.random.split(key)
    pos = jax.random.uniform(k1, (4, 3, 16384, 1), dtype=jnp.float32) * 50.0
    x = jax.random.normal(k2, (4, 256, 16384, 1), dtype=jnp.float32)
    return {"pos": pos, "x": x}


def reference(pos, x):
    num_points = NUM_POINTS
    keypoints_list = []
    feature_list = []
    B = pos.shape[0]
    for i in range(B):
        p = pos[i]  # [3, N, 1]
        f = x[i]    # [d, N, 1]
        sampled_points = jnp.transpose(p, (2, 1, 0))   # [1, N, 3]
        sampled_feature = jnp.transpose(f, (2, 1, 0))  # [1, N, d]
        pts = sampled_points[0, :, 0:3]
        cur_pt_idxs = furthest_point_sample(pts, num_points)
        # N (16384) >= num_points (4096) so the pad-repeat branch of the
        # original code is never taken.
        keypoints = sampled_points[0][cur_pt_idxs][None, ...]   # [1, num_points, 3]
        feature = sampled_feature[0][cur_pt_idxs][None, ...]    # [1, num_points, d]
        keypoints_list.append(keypoints)
        feature_list.append(feature)
    pos_out = jnp.transpose(jnp.concatenate(keypoints_list, axis=0)[..., None], (0, 2, 1, 3))  # [B,3,P,1]
    x_out = jnp.transpose(jnp.concatenate(feature_list, axis=0)[..., None], (0, 2, 1, 3))      # [B,d,P,1]
    return (x_out, pos_out)

if __name__ == "__main__":
    import jax
    _d = setup_inputs()
    print(jax.jit(kernel)(*tuple(_d.values())))

</pallas_src>

<mosaic_0001>
#map = affine_map<(d0, d1) -> (0, 0, 0)>
#map1 = affine_map<(d0, d1) -> (0, 0)>
module attributes {stable_mosaic.version = 14 : i64} {
  func.func @gather_k(%arg0: i32, %arg1: i32, %arg2: memref<4x256x16384xf32, #tpu.memory_space<hbm>>, %arg3: memref<4x3x16384xf32, #tpu.memory_space<hbm>>, %arg4: memref<4x4096xi32, #tpu.memory_space<hbm>>, %arg5: memref<4x256x4096xf32, #tpu.memory_space<hbm>>, %arg6: memref<4x3x4096xf32, #tpu.memory_space<hbm>>, %arg7: memref<4096xi32, #tpu.memory_space<vmem>>, %arg8: memref<4096xf32, #tpu.memory_space<vmem>>, %arg9: memref<4096xf32, #tpu.memory_space<vmem>>, %arg10: memref<!tpu.dma_semaphore, #tpu.memory_space<semaphore_mem>>, %arg11: memref<!tpu.dma_semaphore, #tpu.memory_space<semaphore_mem>>, %arg12: memref<!tpu.dma_semaphore, #tpu.memory_space<semaphore_mem>>, %arg13: memref<!tpu.dma_semaphore, #tpu.memory_space<semaphore_mem>>) attributes {dimension_semantics = [#tpu.dimension_semantics<core_parallel>, #tpu.dimension_semantics<subcore_parallel>], iteration_bounds = array<i64: 2, 16>, scalar_prefetch = 0 : i64, scratch_operands = 7 : i64, tpu.core_type = #tpu.core_type<sc_vector_subcore>, window_params = [{transform_indices = #map}, {transform_indices = #map}, {transform_indices = #map1}, {transform_indices = #map}, {transform_indices = #map}]} {
    %mul3A = arith.constant 2 : i32
    %mul3A_0 = arith.muli %arg1, %mul3A : i32
    %add3A = arith.addi %mul3A_0, %arg0 : i32
    %jit3A = arith.constant 8 : i32
    %div3A = arith.divsi %add3A, %jit3A : i32
    %sign3A = arith.constant 0 : i32
    %sign3A_1 = arith.cmpi sgt, %add3A, %sign3A : i32
    %sign3A_2 = arith.extui %sign3A_1 : i1 to i32
    %sign3A_3 = arith.constant 0 : i32
    %sign3A_4 = arith.cmpi slt, %add3A, %sign3A_3 : i32
    %sign3A_5 = arith.extui %sign3A_4 : i1 to i32
    %sign3A_6 = arith.subi %sign3A_2, %sign3A_5 : i32
    %sign3A_7 = arith.constant 0 : i32
    %sign3A_8 = arith.cmpi sgt, %jit3A, %sign3A_7 : i32
    %sign3A_9 = arith.extui %sign3A_8 : i1 to i32
    %sign3A_10 = arith.constant 0 : i32
    %sign3A_11 = arith.cmpi slt, %jit3A, %sign3A_10 : i32
    %sign3A_12 = arith.extui %sign3A_11 : i1 to i32
    %sign3A_13 = arith.subi %sign3A_9, %sign3A_12 : i32
    %ne3A = arith.cmpi ne, %sign3A_6, %sign3A_13 : i32
    %rem3A = arith.remsi %add3A, %jit3A : i32
    %ne3A_14 = arith.constant 0 : i32
    %ne3A_15 = arith.cmpi ne, %rem3A, %ne3A_14 : i32
    %and3A = arith.andi %ne3A, %ne3A_15 : i1
    %sub3A = arith.constant 1 : i32
    %sub3A_16 = arith.subi %div3A, %sub3A : i32
    %select_n3A = arith.select %and3A, %sub3A_16, %div3A : i32
    %jit3A_17 = arith.constant 8 : i32
    %eq3A = arith.constant 0 : i32
    %eq3A_18 = arith.cmpi eq, %jit3A_17, %eq3A : i32
    %jit3A_19 = arith.constant 1 : i32
    %select_n3A_20 = arith.select %eq3A_18, %jit3A_19, %jit3A_17 : i32
    %rem3A_21 = arith.remsi %add3A, %select_n3A_20 : i32
    %ne3A_22 = arith.constant 0 : i32
    %ne3A_23 = arith.cmpi ne, %rem3A_21, %ne3A_22 : i32
    %lt3A = arith.constant 0 : i32
    %lt3A_24 = arith.cmpi slt, %rem3A_21, %lt3A : i32
    %lt3A_25 = arith.constant 0 : i32
    %lt3A_26 = arith.cmpi slt, %select_n3A_20, %lt3A_25 : i32
    %ne3A_27 = arith.xori %lt3A_24, %lt3A_26 : i1
    %and3A_28 = arith.andi %ne3A_27, %ne3A_23 : i1
    %add3A_29 = arith.addi %rem3A_21, %select_n3A_20 : i32
    %select_n3A_30 = arith.select %and3A_28, %add3A_29, %rem3A_21 : i32
    %mul3A_31 = arith.constant 32 : i32
    %mul3A_32 = arith.muli %select_n3A_30, %mul3A_31 : i32
    "tpu.region"() ({
      %run_scoped3A = tpu.sem_alloc : memref<!tpu.dma_semaphore, #tpu.memory_space<semaphore_mem>>
      %dma_start3A_68 = arith.constant 0 : i32
      %dma_start3A_69 = tpu.memref_slice %arg4[%select_n3A, %dma_start3A_68] : memref<4x4096xi32, #tpu.memory_space<hbm>> -> memref<1x4096xi32, #tpu.memory_space<hbm>>
      %dma_start3A_70 = tpu.memref_squeeze %dma_start3A_69 : memref<1x4096xi32, #tpu.memory_space<hbm>> -> memref<4096xi32, #tpu.memory_space<hbm>>
      %dma_start3A_71 = arith.constant 0 : i32
      %dma_start3A_72 = tpu.memref_slice %arg4[%select_n3A, %dma_start3A_71] : memref<4x4096xi32, #tpu.memory_space<hbm>> -> memref<1x4096xi32, #tpu.memory_space<hbm>>
      %dma_start3A_73 = tpu.memref_squeeze %dma_start3A_72 : memref<1x4096xi32, #tpu.memory_space<hbm>> -> memref<4096xi32, #tpu.memory_space<hbm>>
      tpu.enqueue_dma source(%dma_start3A_73 : memref<4096xi32, #tpu.memory_space<hbm>>) target(%arg7 : memref<4096xi32, #tpu.memory_space<vmem>>) target_semaphore(%run_scoped3A : memref<!tpu.dma_semaphore, #tpu.memory_space<semaphore_mem>>)
      %dma_wait3A_74 = arith.constant 0 : i32
      %dma_wait3A_75 = tpu.memref_slice %arg4[%select_n3A, %dma_wait3A_74] : memref<4x4096xi32, #tpu.memory_space<hbm>> -> memref<1x4096xi32, #tpu.memory_space<hbm>>
      %dma_wait3A_76 = tpu.memref_squeeze %dma_wait3A_75 : memref<1x4096xi32, #tpu.memory_space<hbm>> -> memref<4096xi32, #tpu.memory_space<hbm>>
      %dma_wait3A_77 = arith.constant 0 : i32
      %dma_wait3A_78 = tpu.memref_slice %arg4[%select_n3A, %dma_wait3A_77] : memref<4x4096xi32, #tpu.memory_space<hbm>> -> memref<1x4096xi32, #tpu.memory_space<hbm>>
      %dma_wait3A_79 = tpu.memref_squeeze %dma_wait3A_78 : memref<1x4096xi32, #tpu.memory_space<hbm>> -> memref<4096xi32, #tpu.memory_space<hbm>>
      tpu.wait_dma2 semaphore(%run_scoped3A : memref<!tpu.dma_semaphore, #tpu.memory_space<semaphore_mem>>) src(%dma_wait3A_79 : memref<4096xi32, #tpu.memory_space<hbm>>) dst(%arg7 : memref<4096xi32, #tpu.memory_space<vmem>>)
      tpu.yield
    }) : () -> ()
    %dma_start3A = arith.constant 0 : i32
    %dma_start3A_33 = tpu.memref_slice %arg2[%select_n3A, %mul3A_32, %dma_start3A] : memref<4x256x16384xf32, #tpu.memory_space<hbm>> -> memref<1x1x16384xf32, #tpu.memory_space<hbm>>
    %dma_start3A_34 = tpu.memref_squeeze %dma_start3A_33 : memref<1x1x16384xf32, #tpu.memory_space<hbm>> -> memref<16384xf32, #tpu.memory_space<hbm>>
    %dma_start3A_35 = arith.constant 0 : i32
    %dma_start3A_36 = tpu.memref_slice %dma_start3A_34[%dma_start3A_35] : memref<16384xf32, #tpu.memory_space<hbm>> -> memref<16384xf32, #tpu.memory_space<hbm>>
    tpu.enqueue_indirect_dma source(%dma_start3A_36 : memref<16384xf32, #tpu.memory_space<hbm>>) target(%arg8 : memref<4096xf32, #tpu.memory_space<vmem>>) offsets(%arg7 : memref<4096xi32, #tpu.memory_space<vmem>>) semaphore(%arg10 : memref<!tpu.dma_semaphore, #tpu.memory_space<semaphore_mem>>)
    %add3A_37 = arith.constant 1 : i32
    %add3A_38 = arith.addi %mul3A_32, %add3A_37 : i32
    %dma_start3A_39 = arith.constant 0 : i32
    %dma_start3A_40 = tpu.memref_slice %arg2[%select_n3A, %add3A_38, %dma_start3A_39] : memref<4x256x16384xf32, #tpu.memory_space<hbm>> -> memref<1x1x16384xf32, #tpu.memory_space<hbm>>
    %dma_start3A_41 = tpu.memref_squeeze %dma_start3A_40 : memref<1x1x16384xf32, #tpu.memory_space<hbm>> -> memref<16384xf32, #tpu.memory_space<hbm>>
    %dma_start3A_42 = arith.constant 0 : i32
    %dma_start3A_43 = tpu.memref_slice %dma_start3A_41[%dma_start3A_42] : memref<16384xf32, #tpu.memory_space<hbm>> -> memref<16384xf32, #tpu.memory_space<hbm>>
    tpu.enqueue_indirect_dma source(%dma_start3A_43 : memref<16384xf32, #tpu.memory_space<hbm>>) target(%arg9 : memref<4096xf32, #tpu.memory_space<vmem>>) offsets(%arg7 : memref<4096xi32, #tpu.memory_space<vmem>>) semaphore(%arg11 : memref<!tpu.dma_semaphore, #tpu.memory_space<semaphore_mem>>)
    %scan3A = arith.constant 0 : i32
    %scan3A_44 = arith.constant 0 : i32
    %scan3A_45 = arith.constant 16 : i32
    %scan3A_46 = arith.addi %scan3A_44, %scan3A_45 : i32
    %scan3A_47 = arith.constant 1 : i32
    %scan3A_48 = scf.for %scan3A_68 = %scan3A_44 to %scan3A_46 step %scan3A_47 iter_args(%scan3A_69 = %scan3A) -> (i32)  : i32 {
      %mul3A_70 = arith.constant 2 : i32
      %mul3A_71 = arith.muli %mul3A_70, %scan3A_68 : i32
      %add3A_72 = arith.addi %mul3A_32, %mul3A_71 : i32
      %add3A_73 = arith.constant 0 : i32
      %add3A_74 = arith.addi %add3A_72, %add3A_73 : i32
      %dma_wait3A_75 = arith.constant 0 : i32
      %dma_wait3A_76 = tpu.memref_slice %arg2[%select_n3A, %add3A_74, %dma_wait3A_75] : memref<4x256x16384xf32, #tpu.memory_space<hbm>> -> memref<1x1x16384xf32, #tpu.memory_space<hbm>>
      %dma_wait3A_77 = tpu.memref_squeeze %dma_wait3A_76 : memref<1x1x16384xf32, #tpu.memory_space<hbm>> -> memref<16384xf32, #tpu.memory_space<hbm>>
      %dma_wait3A_78 = arith.constant 0 : i32
      %dma_wait3A_79 = tpu.memref_slice %dma_wait3A_77[%dma_wait3A_78] : memref<16384xf32, #tpu.memory_space<hbm>> -> memref<16384xf32, #tpu.memory_space<hbm>>
      tpu.wait_indirect_dma semaphore(%arg10 : memref<!tpu.dma_semaphore, #tpu.memory_space<semaphore_mem>>) src(%dma_wait3A_79 : memref<16384xf32, #tpu.memory_space<hbm>>) dst(%arg8 : memref<4096xf32, #tpu.memory_space<vmem>>)
      %dma_start3A_80 = arith.constant 0 : i32
      %dma_start3A_81 = tpu.memref_slice %arg5[%select_n3A, %add3A_74, %dma_start3A_80] : memref<4x256x4096xf32, #tpu.memory_space<hbm>> -> memref<1x1x4096xf32, #tpu.memory_space<hbm>>
      %dma_start3A_82 = tpu.memref_squeeze %dma_start3A_81 : memref<1x1x4096xf32, #tpu.memory_space<hbm>> -> memref<4096xf32, #tpu.memory_space<hbm>>
      %dma_start3A_83 = arith.constant 0 : i32
      %dma_start3A_84 = tpu.memref_slice %arg5[%select_n3A, %add3A_74, %dma_start3A_83] : memref<4x256x4096xf32, #tpu.memory_space<hbm>> -> memref<1x1x4096xf32, #tpu.memory_space<hbm>>
      %dma_start3A_85 = tpu.memref_squeeze %dma_start3A_84 : memref<1x1x4096xf32, #tpu.memory_space<hbm>> -> memref<4096xf32, #tpu.memory_space<hbm>>
      tpu.enqueue_dma source(%arg8 : memref<4096xf32, #tpu.memory_space<vmem>>) target(%dma_start3A_85 : memref<4096xf32, #tpu.memory_space<hbm>>) target_semaphore(%arg12 : memref<!tpu.dma_semaphore, #tpu.memory_space<semaphore_mem>>)
      %mul3A_86 = arith.constant 2 : i32
      %mul3A_87 = arith.muli %mul3A_86, %scan3A_68 : i32
      %add3A_88 = arith.addi %mul3A_32, %mul3A_87 : i32
      %add3A_89 = arith.constant 1 : i32
      %add3A_90 = arith.addi %add3A_88, %add3A_89 : i32
      %dma_wait3A_91 = arith.constant 0 : i32
      %dma_wait3A_92 = tpu.memref_slice %arg2[%select_n3A, %add3A_90, %dma_wait3A_91] : memref<4x256x16384xf32, #tpu.memory_space<hbm>> -> memref<1x1x16384xf32, #tpu.memory_space<hbm>>
      %dma_wait3A_93 = tpu.memref_squeeze %dma_wait3A_92 : memref<1x1x16384xf32, #tpu.memory_space<hbm>> -> memref<16384xf32, #tpu.memory_space<hbm>>
      %dma_wait3A_94 = arith.constant 0 : i32
      %dma_wait3A_95 = tpu.memref_slice %dma_wait3A_93[%dma_wait3A_94] : memref<16384xf32, #tpu.memory_space<hbm>> -> memref<16384xf32, #tpu.memory_space<hbm>>
      tpu.wait_indirect_dma semaphore(%arg11 : memref<!tpu.dma_semaphore, #tpu.memory_space<semaphore_mem>>) src(%dma_wait3A_95 : memref<16384xf32, #tpu.memory_space<hbm>>) dst(%arg9 : memref<4096xf32, #tpu.memory_space<vmem>>)
      %dma_start3A_96 = arith.constant 0 : i32
      %dma_start3A_97 = tpu.memref_slice %arg5[%select_n3A, %add3A_90, %dma_start3A_96] : memref<4x256x4096xf32, #tpu.memory_space<hbm>> -> memref<1x1x4096xf32, #tpu.memory_space<hbm>>
      %dma_start3A_98 = tpu.memref_squeeze %dma_start3A_97 : memref<1x1x4096xf32, #tpu.memory_space<hbm>> -> memref<4096xf32, #tpu.memory_space<hbm>>
      %dma_start3A_99 = arith.constant 0 : i32
      %dma_start3A_100 = tpu.memref_slice %arg5[%select_n3A, %add3A_90, %dma_start3A_99] : memref<4x256x4096xf32, #tpu.memory_space<hbm>> -> memref<1x1x4096xf32, #tpu.memory_space<hbm>>
      %dma_start3A_101 = tpu.memref_squeeze %dma_start3A_100 : memref<1x1x4096xf32, #tpu.memory_space<hbm>> -> memref<4096xf32, #tpu.memory_space<hbm>>
      tpu.enqueue_dma source(%arg9 : memref<4096xf32, #tpu.memory_space<vmem>>) target(%dma_start3A_101 : memref<4096xf32, #tpu.memory_space<hbm>>) target_semaphore(%arg13 : memref<!tpu.dma_semaphore, #tpu.memory_space<semaphore_mem>>)
      %mul3A_102 = arith.constant 2 : i32
      %mul3A_103 = arith.muli %mul3A_102, %scan3A_68 : i32
      %add3A_104 = arith.constant 0 : i32
      %add3A_105 = arith.addi %mul3A_103, %add3A_104 : i32
      %add3A_106 = arith.constant 2 : i32
      %add3A_107 = arith.addi %add3A_105, %add3A_106 : i32
      %lt3A_108 = arith.constant 32 : i32
      %lt3A_109 = arith.cmpi slt, %add3A_107, %lt3A_108 : i32
      %convert_element_type3A_110 = arith.extui %lt3A_109 : i1 to i32
      %cond3A_111 = arith.constant 0 : i32
      %cond3A_112 = arith.cmpi ne, %convert_element_type3A_110, %cond3A_111 : i32
      scf.if %cond3A_112 {
        %add3A_125 = arith.addi %mul3A_32, %add3A_107 : i32
        %sub3A_126 = arith.constant 2 : i32
        %sub3A_127 = arith.subi %add3A_125, %sub3A_126 : i32
        %dma_wait3A_128 = arith.constant 0 : i32
        %dma_wait3A_129 = tpu.memref_slice %arg5[%select_n3A, %sub3A_127, %dma_wait3A_128] : memref<4x256x4096xf32, #tpu.memory_space<hbm>> -> memref<1x1x4096xf32, #tpu.memory_space<hbm>>
        %dma_wait3A_130 = tpu.memref_squeeze %dma_wait3A_129 : memref<1x1x4096xf32, #tpu.memory_space<hbm>> -> memref<4096xf32, #tpu.memory_space<hbm>>
        %dma_wait3A_131 = arith.constant 0 : i32
        %dma_wait3A_132 = tpu.memref_slice %arg5[%select_n3A, %sub3A_127, %dma_wait3A_131] : memref<4x256x4096xf32, #tpu.memory_space<hbm>> -> memref<1x1x4096xf32, #tpu.memory_space<hbm>>
        %dma_wait3A_133 = tpu.memref_squeeze %dma_wait3A_132 : memref<1x1x4096xf32, #tpu.memory_space<hbm>> -> memref<4096xf32, #tpu.memory_space<hbm>>
        tpu.wait_dma2 semaphore(%arg12 : memref<!tpu.dma_semaphore, #tpu.memory_space<semaphore_mem>>) src(%arg8 : memref<4096xf32, #tpu.memory_space<vmem>>) dst(%dma_wait3A_133 : memref<4096xf32, #tpu.memory_space<hbm>>)
        %dma_start3A_134 = arith.constant 0 : i32
        %dma_start3A_135 = tpu.memref_slice %arg2[%select_n3A, %add3A_125, %dma_start3A_134] : memref<4x256x16384xf32, #tpu.memory_space<hbm>> -> memref<1x1x16384xf32, #tpu.memory_space<hbm>>
        %dma_start3A_136 = tpu.memref_squeeze %dma_start3A_135 : memref<1x1x16384xf32, #tpu.memory_space<hbm>> -> memref<16384xf32, #tpu.memory_space<hbm>>
        %dma_start3A_137 = arith.constant 0 : i32
        %dma_start3A_138 = tpu.memref_slice %dma_start3A_136[%dma_start3A_137] : memref<16384xf32, #tpu.memory_space<hbm>> -> memref<16384xf32, #tpu.memory_space<hbm>>
        tpu.enqueue_indirect_dma source(%dma_start3A_138 : memref<16384xf32, #tpu.memory_space<hbm>>) target(%arg8 : memref<4096xf32, #tpu.memory_space<vmem>>) offsets(%arg7 : memref<4096xi32, #tpu.memory_space<vmem>>) semaphore(%arg10 : memref<!tpu.dma_semaphore, #tpu.memory_space<semaphore_mem>>)
      } else {
      }
      %mul3A_113 = arith.constant 2 : i32
      %mul3A_114 = arith.muli %mul3A_113, %scan3A_68 : i32
      %add3A_115 = arith.constant 1 : i32
      %add3A_116 = arith.addi %mul3A_114, %add3A_115 : i32
      %add3A_117 = arith.constant 2 : i32
      %add3A_118 = arith.addi %add3A_116, %add3A_117 : i32
      %lt3A_119 = arith.constant 32 : i32
      %lt3A_120 = arith.cmpi slt, %add3A_118, %lt3A_119 : i32
      %convert_element_type3A_121 = arith.extui %lt3A_120 : i1 to i32
      %cond3A_122 = arith.constant 0 : i32
      %cond3A_123 = arith.cmpi ne, %convert_element_type3A_121, %cond3A_122 : i32
      scf.if %cond3A_123 {
        %add3A_125 = arith.addi %mul3A_32, %add3A_118 : i32
        %sub3A_126 = arith.constant 2 : i32
        %sub3A_127 = arith.subi %add3A_125, %sub3A_126 : i32
        %dma_wait3A_128 = arith.constant 0 : i32
        %dma_wait3A_129 = tpu.memref_slice %arg5[%select_n3A, %sub3A_127, %dma_wait3A_128] : memref<4x256x4096xf32, #tpu.memory_space<hbm>> -> memref<1x1x4096xf32, #tpu.memory_space<hbm>>
        %dma_wait3A_130 = tpu.memref_squeeze %dma_wait3A_129 : memref<1x1x4096xf32, #tpu.memory_space<hbm>> -> memref<4096xf32, #tpu.memory_space<hbm>>
        %dma_wait3A_131 = arith.constant 0 : i32
        %dma_wait3A_132 = tpu.memref_slice %arg5[%select_n3A, %sub3A_127, %dma_wait3A_131] : memref<4x256x4096xf32, #tpu.memory_space<hbm>> -> memref<1x1x4096xf32, #tpu.memory_space<hbm>>
        %dma_wait3A_133 = tpu.memref_squeeze %dma_wait3A_132 : memref<1x1x4096xf32, #tpu.memory_space<hbm>> -> memref<4096xf32, #tpu.memory_space<hbm>>
        tpu.wait_dma2 semaphore(%arg13 : memref<!tpu.dma_semaphore, #tpu.memory_space<semaphore_mem>>) src(%arg9 : memref<4096xf32, #tpu.memory_space<vmem>>) dst(%dma_wait3A_133 : memref<4096xf32, #tpu.memory_space<hbm>>)
        %dma_start3A_134 = arith.constant 0 : i32
        %dma_start3A_135 = tpu.memref_slice %arg2[%select_n3A, %add3A_125, %dma_start3A_134] : memref<4x256x16384xf32, #tpu.memory_space<hbm>> -> memref<1x1x16384xf32, #tpu.memory_space<hbm>>
        %dma_start3A_136 = tpu.memref_squeeze %dma_start3A_135 : memref<1x1x16384xf32, #tpu.memory_space<hbm>> -> memref<16384xf32, #tpu.memory_space<hbm>>
        %dma_start3A_137 = arith.constant 0 : i32
        %dma_start3A_138 = tpu.memref_slice %dma_start3A_136[%dma_start3A_137] : memref<16384xf32, #tpu.memory_space<hbm>> -> memref<16384xf32, #tpu.memory_space<hbm>>
        tpu.enqueue_indirect_dma source(%dma_start3A_138 : memref<16384xf32, #tpu.memory_space<hbm>>) target(%arg9 : memref<4096xf32, #tpu.memory_space<vmem>>) offsets(%arg7 : memref<4096xi32, #tpu.memory_space<vmem>>) semaphore(%arg11 : memref<!tpu.dma_semaphore, #tpu.memory_space<semaphore_mem>>)
      } else {
      }
      %scan3A_124 = arith.constant 0 : i32
      scf.yield %scan3A_124 : i32
    }
    %scan3A_49 = arith.constant 16 : i32
    %add3A_50 = arith.constant 30 : i32
    %add3A_51 = arith.addi %mul3A_32, %add3A_50 : i32
    %dma_wait3A = arith.constant 0 : i32
    %dma_wait3A_52 = tpu.memref_slice %arg5[%select_n3A, %add3A_51, %dma_wait3A] : memref<4x256x4096xf32, #tpu.memory_space<hbm>> -> memref<1x1x4096xf32, #tpu.memory_space<hbm>>
    %dma_wait3A_53 = tpu.memref_squeeze %dma_wait3A_52 : memref<1x1x4096xf32, #tpu.memory_space<hbm>> -> memref<4096xf32, #tpu.memory_space<hbm>>
    %dma_wait3A_54 = arith.constant 0 : i32
    %dma_wait3A_55 = tpu.memref_slice %arg5[%select_n3A, %add3A_51, %dma_wait3A_54] : memref<4x256x4096xf32, #tpu.memory_space<hbm>> -> memref<1x1x4096xf32, #tpu.memory_space<hbm>>
    %dma_wait3A_56 = tpu.memref_squeeze %dma_wait3A_55 : memref<1x1x4096xf32, #tpu.memory_space<hbm>> -> memref<4096xf32, #tpu.memory_space<hbm>>
    tpu.wait_dma2 semaphore(%arg12 : memref<!tpu.dma_semaphore, #tpu.memory_space<semaphore_mem>>) src(%arg8 : memref<4096xf32, #tpu.memory_space<vmem>>) dst(%dma_wait3A_56 : memref<4096xf32, #tpu.memory_space<hbm>>)
    %add3A_57 = arith.constant 31 : i32
    %add3A_58 = arith.addi %mul3A_32, %add3A_57 : i32
    %dma_wait3A_59 = arith.constant 0 : i32
    %dma_wait3A_60 = tpu.memref_slice %arg5[%select_n3A, %add3A_58, %dma_wait3A_59] : memref<4x256x4096xf32, #tpu.memory_space<hbm>> -> memref<1x1x4096xf32, #tpu.memory_space<hbm>>
    %dma_wait3A_61 = tpu.memref_squeeze %dma_wait3A_60 : memref<1x1x4096xf32, #tpu.memory_space<hbm>> -> memref<4096xf32, #tpu.memory_space<hbm>>
    %dma_wait3A_62 = arith.constant 0 : i32
    %dma_wait3A_63 = tpu.memref_slice %arg5[%select_n3A, %add3A_58, %dma_wait3A_62] : memref<4x256x4096xf32, #tpu.memory_space<hbm>> -> memref<1x1x4096xf32, #tpu.memory_space<hbm>>
    %dma_wait3A_64 = tpu.memref_squeeze %dma_wait3A_63 : memref<1x1x4096xf32, #tpu.memory_space<hbm>> -> memref<4096xf32, #tpu.memory_space<hbm>>
    tpu.wait_dma2 semaphore(%arg13 : memref<!tpu.dma_semaphore, #tpu.memory_space<semaphore_mem>>) src(%arg9 : memref<4096xf32, #tpu.memory_space<vmem>>) dst(%dma_wait3A_64 : memref<4096xf32, #tpu.memory_space<hbm>>)
    %lt3A_65 = arith.constant 12 : i32
    %lt3A_66 = arith.cmpi slt, %add3A, %lt3A_65 : i32
    %convert_element_type3A = arith.extui %lt3A_66 : i1 to i32
    %cond3A = arith.constant 0 : i32
    %cond3A_67 = arith.cmpi ne, %convert_element_type3A, %cond3A : i32
    scf.if %cond3A_67 {
      %jit3A_68 = arith.constant 3 : i32
      %div3A_69 = arith.divsi %add3A, %jit3A_68 : i32
      %sign3A_70 = arith.constant 0 : i32
      %sign3A_71 = arith.cmpi sgt, %add3A, %sign3A_70 : i32
      %sign3A_72 = arith.extui %sign3A_71 : i1 to i32
      %sign3A_73 = arith.constant 0 : i32
      %sign3A_74 = arith.cmpi slt, %add3A, %sign3A_73 : i32
      %sign3A_75 = arith.extui %sign3A_74 : i1 to i32
      %sign3A_76 = arith.subi %sign3A_72, %sign3A_75 : i32
      %sign3A_77 = arith.constant 0 : i32
      %sign3A_78 = arith.cmpi sgt, %jit3A_68, %sign3A_77 : i32
      %sign3A_79 = arith.extui %sign3A_78 : i1 to i32
      %sign3A_80 = arith.constant 0 : i32
      %sign3A_81 = arith.cmpi slt, %jit3A_68, %sign3A_80 : i32
      %sign3A_82 = arith.extui %sign3A_81 : i1 to i32
      %sign3A_83 = arith.subi %sign3A_79, %sign3A_82 : i32
      %ne3A_84 = arith.cmpi ne, %sign3A_76, %sign3A_83 : i32
      %rem3A_85 = arith.remsi %add3A, %jit3A_68 : i32
      %ne3A_86 = arith.constant 0 : i32
      %ne3A_87 = arith.cmpi ne, %rem3A_85, %ne3A_86 : i32
      %and3A_88 = arith.andi %ne3A_84, %ne3A_87 : i1
      %sub3A_89 = arith.constant 1 : i32
      %sub3A_90 = arith.subi %div3A_69, %sub3A_89 : i32
      %select_n3A_91 = arith.select %and3A_88, %sub3A_90, %div3A_69 : i32
      %mul3A_92 = arith.constant 3 : i32
      %mul3A_93 = arith.muli %select_n3A_91, %mul3A_92 : i32
      %sub3A_94 = arith.subi %add3A, %mul3A_93 : i32
      "tpu.region"() ({
        %run_scoped3A = tpu.sem_alloc : memref<!tpu.dma_semaphore, #tpu.memory_space<semaphore_mem>>
        %dma_start3A_105 = arith.constant 0 : i32
        %dma_start3A_106 = tpu.memref_slice %arg4[%select_n3A_91, %dma_start3A_105] : memref<4x4096xi32, #tpu.memory_space<hbm>> -> memref<1x4096xi32, #tpu.memory_space<hbm>>
        %dma_start3A_107 = tpu.memref_squeeze %dma_start3A_106 : memref<1x4096xi32, #tpu.memory_space<hbm>> -> memref<4096xi32, #tpu.memory_space<hbm>>
        %dma_start3A_108 = arith.constant 0 : i32
        %dma_start3A_109 = tpu.memref_slice %arg4[%select_n3A_91, %dma_start3A_108] : memref<4x4096xi32, #tpu.memory_space<hbm>> -> memref<1x4096xi32, #tpu.memory_space<hbm>>
        %dma_start3A_110 = tpu.memref_squeeze %dma_start3A_109 : memref<1x4096xi32, #tpu.memory_space<hbm>> -> memref<4096xi32, #tpu.memory_space<hbm>>
        tpu.enqueue_dma source(%dma_start3A_110 : memref<4096xi32, #tpu.memory_space<hbm>>) target(%arg7 : memref<4096xi32, #tpu.memory_space<vmem>>) target_semaphore(%run_scoped3A : memref<!tpu.dma_semaphore, #tpu.memory_space<semaphore_mem>>)
        %dma_wait3A_111 = arith.constant 0 : i32
        %dma_wait3A_112 = tpu.memref_slice %arg4[%select_n3A_91, %dma_wait3A_111] : memref<4x4096xi32, #tpu.memory_space<hbm>> -> memref<1x4096xi32, #tpu.memory_space<hbm>>
        %dma_wait3A_113 = tpu.memref_squeeze %dma_wait3A_112 : memref<1x4096xi32, #tpu.memory_space<hbm>> -> memref<4096xi32, #tpu.memory_space<hbm>>
        %dma_wait3A_114 = arith.constant 0 : i32
        %dma_wait3A_115 = tpu.memref_slice %arg4[%select_n3A_91, %dma_wait3A_114] : memref<4x4096xi32, #tpu.memory_space<hbm>> -> memref<1x4096xi32, #tpu.memory_space<hbm>>
        %dma_wait3A_116 = tpu.memref_squeeze %dma_wait3A_115 : memref<1x4096xi32, #tpu.memory_space<hbm>> -> memref<4096xi32, #tpu.memory_space<hbm>>
        tpu.wait_dma2 semaphore(%run_scoped3A : memref<!tpu.dma_semaphore, #tpu.memory_space<semaphore_mem>>) src(%dma_wait3A_116 : memref<4096xi32, #tpu.memory_space<hbm>>) dst(%arg7 : memref<4096xi32, #tpu.memory_space<vmem>>)
        tpu.yield
      }) : () -> ()
      %dma_start3A_95 = arith.constant 0 : i32
      %dma_start3A_96 = tpu.memref_slice %arg3[%select_n3A_91, %sub3A_94, %dma_start3A_95] : memref<4x3x16384xf32, #tpu.memory_space<hbm>> -> memref<1x1x16384xf32, #tpu.memory_space<hbm>>
      %dma_start3A_97 = tpu.memref_squeeze %dma_start3A_96 : memref<1x1x16384xf32, #tpu.memory_space<hbm>> -> memref<16384xf32, #tpu.memory_space<hbm>>
      %dma_start3A_98 = arith.constant 0 : i32
      %dma_start3A_99 = tpu.memref_slice %dma_start3A_97[%dma_start3A_98] : memref<16384xf32, #tpu.memory_space<hbm>> -> memref<16384xf32, #tpu.memory_space<hbm>>
      tpu.enqueue_indirect_dma source(%dma_start3A_99 : memref<16384xf32, #tpu.memory_space<hbm>>) target(%arg8 : memref<4096xf32, #tpu.memory_space<vmem>>) offsets(%arg7 : memref<4096xi32, #tpu.memory_space<vmem>>) semaphore(%arg10 : memref<!tpu.dma_semaphore, #tpu.memory_space<semaphore_mem>>)
      %dma_wait3A_100 = arith.constant 0 : i32
      %dma_wait3A_101 = tpu.memref_slice %arg3[%select_n3A_91, %sub3A_94, %dma_wait3A_100] : memref<4x3x16384xf32, #tpu.memory_space<hbm>> -> memref<1x1x16384xf32, #tpu.memory_space<hbm>>
      %dma_wait3A_102 = tpu.memref_squeeze %dma_wait3A_101 : memref<1x1x16384xf32, #tpu.memory_space<hbm>> -> memref<16384xf32, #tpu.memory_space<hbm>>
      %dma_wait3A_103 = arith.constant 0 : i32
      %dma_wait3A_104 = tpu.memref_slice %dma_wait3A_102[%dma_wait3A_103] : memref<16384xf32, #tpu.memory_space<hbm>> -> memref<16384xf32, #tpu.memory_space<hbm>>
      tpu.wait_indirect_dma semaphore(%arg10 : memref<!tpu.dma_semaphore, #tpu.memory_space<semaphore_mem>>) src(%dma_wait3A_104 : memref<16384xf32, #tpu.memory_space<hbm>>) dst(%arg8 : memref<4096xf32, #tpu.memory_space<vmem>>)
      "tpu.region"() ({
        %run_scoped3A = tpu.sem_alloc : memref<!tpu.dma_semaphore, #tpu.memory_space<semaphore_mem>>
        %dma_start3A_105 = arith.constant 0 : i32
        %dma_start3A_106 = tpu.memref_slice %arg6[%select_n3A_91, %sub3A_94, %dma_start3A_105] : memref<4x3x4096xf32, #tpu.memory_space<hbm>> -> memref<1x1x4096xf32, #tpu.memory_space<hbm>>
        %dma_start3A_107 = tpu.memref_squeeze %dma_start3A_106 : memref<1x1x4096xf32, #tpu.memory_space<hbm>> -> memref<4096xf32, #tpu.memory_space<hbm>>
        %dma_start3A_108 = arith.constant 0 : i32
        %dma_start3A_109 = tpu.memref_slice %arg6[%select_n3A_91, %sub3A_94, %dma_start3A_108] : memref<4x3x4096xf32, #tpu.memory_space<hbm>> -> memref<1x1x4096xf32, #tpu.memory_space<hbm>>
        %dma_start3A_110 = tpu.memref_squeeze %dma_start3A_109 : memref<1x1x4096xf32, #tpu.memory_space<hbm>> -> memref<4096xf32, #tpu.memory_space<hbm>>
        tpu.enqueue_dma source(%arg8 : memref<4096xf32, #tpu.memory_space<vmem>>) target(%dma_start3A_110 : memref<4096xf32, #tpu.memory_space<hbm>>) target_semaphore(%run_scoped3A : memref<!tpu.dma_semaphore, #tpu.memory_space<semaphore_mem>>)
        %dma_wait3A_111 = arith.constant 0 : i32
        %dma_wait3A_112 = tpu.memref_slice %arg6[%select_n3A_91, %sub3A_94, %dma_wait3A_111] : memref<4x3x4096xf32, #tpu.memory_space<hbm>> -> memref<1x1x4096xf32, #tpu.memory_space<hbm>>
        %dma_wait3A_113 = tpu.memref_squeeze %dma_wait3A_112 : memref<1x1x4096xf32, #tpu.memory_space<hbm>> -> memref<4096xf32, #tpu.memory_space<hbm>>
        %dma_wait3A_114 = arith.constant 0 : i32
        %dma_wait3A_115 = tpu.memref_slice %arg6[%select_n3A_91, %sub3A_94, %dma_wait3A_114] : memref<4x3x4096xf32, #tpu.memory_space<hbm>> -> memref<1x1x4096xf32, #tpu.memory_space<hbm>>
        %dma_wait3A_116 = tpu.memref_squeeze %dma_wait3A_115 : memref<1x1x4096xf32, #tpu.memory_space<hbm>> -> memref<4096xf32, #tpu.memory_space<hbm>>
        tpu.wait_dma2 semaphore(%run_scoped3A : memref<!tpu.dma_semaphore, #tpu.memory_space<semaphore_mem>>) src(%arg8 : memref<4096xf32, #tpu.memory_space<vmem>>) dst(%dma_wait3A_116 : memref<4096xf32, #tpu.memory_space<hbm>>)
        tpu.yield
      }) : () -> ()
    } else {
    }
    return
  }
}

module attributes {stable_mosaic.version = 14 : i64} {
  func.func @_fps_body(%arg0: memref<4x3x128x128xf32, #tpu.memory_space<vmem>>, %arg1: memref<4x32x128xi32, #tpu.memory_space<vmem>>, %arg2: memref<4x128x128xf32, #tpu.memory_space<vmem>>) attributes {dimension_semantics = [], scalar_prefetch = 0 : i64, scratch_operands = 1 : i64, tpu.core_type = #tpu.core_type<tc>} {
    %iota3A = tpu.iota {dimensions = array<i32: 2>} : vector<4x1x128xi32>
    %broadcast_in_dim3A = arith.constant 1.000000e+10 : f32
    %broadcast_in_dim3A_0 = vector.broadcast %broadcast_in_dim3A : f32 to vector<4x128x128xf32>
    %swap3A = arith.constant 0 : index
    %swap3A_1 = arith.constant 0 : index
    %swap3A_2 = arith.constant 0 : index
    %swap3A_3 = vector.load %arg2[%swap3A, %swap3A_1, %swap3A_2] : memref<4x128x128xf32, #tpu.memory_space<vmem>>, vector<4x128x128xf32>
    tpu.vector_store %arg2[%swap3A, %swap3A_1, %swap3A_2], %broadcast_in_dim3A_0 {strides = array<i32>} : memref<4x128x128xf32, #tpu.memory_space<vmem>>, vector<4x128x128xf32>,
    %get3A = arith.constant 0 : index
    %get3A_4 = arith.constant 0 : index
    %get3A_5 = arith.constant 0 : index
    %get3A_6 = arith.constant 0 : index
    %get3A_7 = vector.load %arg0[%get3A, %get3A_4, %get3A_5, %get3A_6] : memref<4x3x128x128xf32, #tpu.memory_space<vmem>>, vector<4x1x1x1xf32>
    %get3A_8 = vector.shape_cast %get3A_7 : vector<4x1x1x1xf32> to vector<4x1x1xf32>
    %get3A_9 = arith.constant 0 : index
    %get3A_10 = arith.constant 1 : index
    %get3A_11 = arith.constant 0 : index
    %get3A_12 = arith.constant 0 : index
    %get3A_13 = vector.load %arg0[%get3A_9, %get3A_10, %get3A_11, %get3A_12] : memref<4x3x128x128xf32, #tpu.memory_space<vmem>>, vector<4x1x1x1xf32>
    %get3A_14 = vector.shape_cast %get3A_13 : vector<4x1x1x1xf32> to vector<4x1x1xf32>
    %get3A_15 = arith.constant 0 : index
    %get3A_16 = arith.constant 2 : index
    %get3A_17 = arith.constant 0 : index
    %get3A_18 = arith.constant 0 : index
    %get3A_19 = vector.load %arg0[%get3A_15, %get3A_16, %get3A_17, %get3A_18] : memref<4x3x128x128xf32, #tpu.memory_space<vmem>>, vector<4x1x1x1xf32>
    %get3A_20 = vector.shape_cast %get3A_19 : vector<4x1x1x1xf32> to vector<4x1x1xf32>
    %broadcast_in_dim3A_21 = arith.constant 0 : i32
    %broadcast_in_dim3A_22 = vector.broadcast %broadcast_in_dim3A_21 : i32 to vector<4x1x128xi32>
    %iota3A_23 = tpu.iota {dimensions = array<i32: 1>} : vector<4x8x128xi32>
    %iota3A_24 = tpu.iota {dimensions = array<i32: 2>} : vector<4x8x128xi32>
    %mul3A = arith.constant 128 : i32
    %mul3A_25 = vector.broadcast %mul3A : i32 to vector<4x8x128xi32>
    %mul3A_26 = arith.muli %mul3A_25, %iota3A_24 : vector<4x8x128xi32>
    %add3A = arith.addi %iota3A_23, %mul3A_26 : vector<4x8x128xi32>
    %scan3A = arith.constant 1073741824 : i32
    %scan3A_27 = arith.constant 1 : i32
    %scan3A_28 = arith.constant 4095 : i32
    %scan3A_29 = arith.addi %scan3A_27, %scan3A_28 : i32
    %scan3A_30 = arith.constant 1 : i32
    %scan3A_31:4 = scf.for %scan3A_33 = %scan3A_27 to %scan3A_29 step %scan3A_30 iter_args(%scan3A_34 = %get3A_8, %scan3A_35 = %get3A_14, %scan3A_36 = %get3A_20, %scan3A_37 = %broadcast_in_dim3A_22) -> (vector<4x1x1xf32>, vector<4x1x1xf32>, vector<4x1x1xf32>, vector<4x1x128xi32>)  : i32 {
      %jit3A = arith.constant 128 : i32
      %div3A = arith.divsi %scan3A_33, %jit3A : i32
      %sign3A = arith.constant 0 : i32
      %sign3A_38 = arith.cmpi sgt, %scan3A_33, %sign3A : i32
      %sign3A_39 = arith.extui %sign3A_38 : i1 to i32
      %sign3A_40 = arith.constant 0 : i32
      %sign3A_41 = arith.cmpi slt, %scan3A_33, %sign3A_40 : i32
      %sign3A_42 = arith.extui %sign3A_41 : i1 to i32
      %sign3A_43 = arith.subi %sign3A_39, %sign3A_42 : i32
      %sign3A_44 = arith.constant 0 : i32
      %sign3A_45 = arith.cmpi sgt, %jit3A, %sign3A_44 : i32
      %sign3A_46 = arith.extui %sign3A_45 : i1 to i32
      %sign3A_47 = arith.constant 0 : i32
      %sign3A_48 = arith.cmpi slt, %jit3A, %sign3A_47 : i32
      %sign3A_49 = arith.extui %sign3A_48 : i1 to i32
      %sign3A_50 = arith.subi %sign3A_46, %sign3A_49 : i32
      %ne3A = arith.cmpi ne, %sign3A_43, %sign3A_50 : i32
      %rem3A = arith.remsi %scan3A_33, %jit3A : i32
      %ne3A_51 = arith.constant 0 : i32
      %ne3A_52 = arith.cmpi ne, %rem3A, %ne3A_51 : i32
      %and3A = arith.andi %ne3A, %ne3A_52 : i1
      %sub3A = arith.constant 1 : i32
      %sub3A_53 = arith.subi %div3A, %sub3A : i32
      %select_n3A = arith.select %and3A, %sub3A_53, %div3A : i32
      %mul3A_54 = arith.constant 128 : i32
      %mul3A_55 = arith.muli %select_n3A, %mul3A_54 : i32
      %sub3A_56 = arith.subi %scan3A_33, %mul3A_55 : i32
      %get3A_57 = arith.constant 0 : index
      %get3A_58 = arith.constant 0 : index
      %get3A_59 = arith.constant 0 : index
      %get3A_60 = arith.constant 0 : index
      %get3A_61 = vector.load %arg0[%get3A_57, %get3A_58, %get3A_59, %get3A_60] : memref<4x3x128x128xf32, #tpu.memory_space<vmem>>, vector<4x1x8x128xf32>
      %get3A_62 = vector.shape_cast %get3A_61 : vector<4x1x8x128xf32> to vector<4x8x128xf32>
      %get3A_63 = arith.constant 0 : index
      %get3A_64 = arith.constant 1 : index
      %get3A_65 = arith.constant 0 : index
      %get3A_66 = arith.constant 0 : index
      %get3A_67 = vector.load %arg0[%get3A_63, %get3A_64, %get3A_65, %get3A_66] : memref<4x3x128x128xf32, #tpu.memory_space<vmem>>, vector<4x1x8x128xf32>
      %get3A_68 = vector.shape_cast %get3A_67 : vector<4x1x8x128xf32> to vector<4x8x128xf32>
      %get3A_69 = arith.constant 0 : index
      %get3A_70 = arith.constant 2 : index
      %get3A_71 = arith.constant 0 : index
      %get3A_72 = arith.constant 0 : index
      %get3A_73 = vector.load %arg0[%get3A_69, %get3A_70, %get3A_71, %get3A_72] : memref<4x3x128x128xf32, #tpu.memory_space<vmem>>, vector<4x1x8x128xf32>
      %get3A_74 = vector.shape_cast %get3A_73 : vector<4x1x8x128xf32> to vector<4x8x128xf32>
      %sub3A_75 = vector.broadcast %scan3A_34 : vector<4x1x1xf32> to vector<4x8x128xf32>
      %sub3A_76 = arith.subf %get3A_62, %sub3A_75 : vector<4x8x128xf32>
      %sub3A_77 = vector.broadcast %scan3A_35 : vector<4x1x1xf32> to vector<4x8x128xf32>
      %sub3A_78 = arith.subf %get3A_68, %sub3A_77 : vector<4x8x128xf32>
      %sub3A_79 = vector.broadcast %scan3A_36 : vector<4x1x1xf32> to vector<4x8x128xf32>
      %sub3A_80 = arith.subf %get3A_74, %sub3A_79 : vector<4x8x128xf32>
      %mul3A_81 = arith.mulf %sub3A_76, %sub3A_76 : vector<4x8x128xf32>
      %mul3A_82 = arith.mulf %sub3A_78, %sub3A_78 : vector<4x8x128xf32>
      %add3A_83 = arith.addf %mul3A_81, %mul3A_82 : vector<4x8x128xf32>
      %mul3A_84 = arith.mulf %sub3A_80, %sub3A_80 : vector<4x8x128xf32>
      %add3A_85 = arith.addf %add3A_83, %mul3A_84 : vector<4x8x128xf32>
      %get3A_86 = arith.constant 0 : index
      %get3A_87 = arith.constant 0 : index
      %get3A_88 = arith.constant 0 : index
      %get3A_89 = vector.load %arg2[%get3A_86, %get3A_87, %get3A_88] : memref<4x128x128xf32, #tpu.memory_space<vmem>>, vector<4x8x128xf32>
      %min3A = arith.minimumf %get3A_89, %add3A_85 : vector<4x8x128xf32>
      %swap3A_90 = arith.constant 0 : index
      %swap3A_91 = arith.constant 0 : index
      %swap3A_92 = arith.constant 0 : index
      %swap3A_93 = vector.load %arg2[%swap3A_90, %swap3A_91, %swap3A_92] : memref<4x128x128xf32, #tpu.memory_space<vmem>>, vector<4x8x128xf32>
      tpu.vector_store %arg2[%swap3A_90, %swap3A_91, %swap3A_92], %min3A {strides = array<i32>} : memref<4x128x128xf32, #tpu.memory_space<vmem>>, vector<4x8x128xf32>,
      %add3A_94 = arith.constant 0 : i32
      %add3A_95 = vector.broadcast %add3A_94 : i32 to vector<4x8x128xi32>
      %add3A_96 = arith.addi %add3A, %add3A_95 : vector<4x8x128xi32>
      %get3A_97 = arith.constant 0 : index
      %get3A_98 = arith.constant 0 : index
      %get3A_99 = arith.constant 8 : index
      %get3A_100 = arith.constant 0 : index
      %get3A_101 = vector.load %arg0[%get3A_97, %get3A_98, %get3A_99, %get3A_100] : memref<4x3x128x128xf32, #tpu.memory_space<vmem>>, vector<4x1x8x128xf32>
      %get3A_102 = vector.shape_cast %get3A_101 : vector<4x1x8x128xf32> to vector<4x8x128xf32>
      %get3A_103 = arith.constant 0 : index
      %get3A_104 = arith.constant 1 : index
      %get3A_105 = arith.constant 8 : index
      %get3A_106 = arith.constant 0 : index
      %get3A_107 = vector.load %arg0[%get3A_103, %get3A_104, %get3A_105, %get3A_106] : memref<4x3x128x128xf32, #tpu.memory_space<vmem>>, vector<4x1x8x128xf32>
      %get3A_108 = vector.shape_cast %get3A_107 : vector<4x1x8x128xf32> to vector<4x8x128xf32>
      %get3A_109 = arith.constant 0 : index
      %get3A_110 = arith.constant 2 : index
      %get3A_111 = arith.constant 8 : index
      %get3A_112 = arith.constant 0 : index
      %get3A_113 = vector.load %arg0[%get3A_109, %get3A_110, %get3A_111, %get3A_112] : memref<4x3x128x128xf32, #tpu.memory_space<vmem>>, vector<4x1x8x128xf32>
      %get3A_114 = vector.shape_cast %get3A_113 : vector<4x1x8x128xf32> to vector<4x8x128xf32>
      %sub3A_115 = vector.broadcast %scan3A_34 : vector<4x1x1xf32> to vector<4x8x128xf32>
      %sub3A_116 = arith.subf %get3A_102, %sub3A_115 : vector<4x8x128xf32>
      %sub3A_117 = vector.broadcast %scan3A_35 : vector<4x1x1xf32> to vector<4x8x128xf32>
      %sub3A_118 = arith.subf %get3A_108, %sub3A_117 : vector<4x8x128xf32>
      %sub3A_119 = vector.broadcast %scan3A_36 : vector<4x1x1xf32> to vector<4x8x128xf32>
      %sub3A_120 = arith.subf %get3A_114, %sub3A_119 : vector<4x8x128xf32>
      %mul3A_121 = arith.mulf %sub3A_116, %sub3A_116 : vector<4x8x128xf32>
      %mul3A_122 = arith.mulf %sub3A_118, %sub3A_118 : vector<4x8x128xf32>
      %add3A_123 = arith.addf %mul3A_121, %mul3A_122 : vector<4x8x128xf32>
      %mul3A_124 = arith.mulf %sub3A_120, %sub3A_120 : vector<4x8x128xf32>
      %add3A_125 = arith.addf %add3A_123, %mul3A_124 : vector<4x8x128xf32>
      %get3A_126 = arith.constant 0 : index
      %get3A_127 = arith.constant 8 : index
      %get3A_128 = arith.constant 0 : index
      %get3A_129 = vector.load %arg2[%get3A_126, %get3A_127, %get3A_128] : memref<4x128x128xf32, #tpu.memory_space<vmem>>, vector<4x8x128xf32>
      %min3A_130 = arith.minimumf %get3A_129, %add3A_125 : vector<4x8x128xf32>
      %swap3A_131 = arith.constant 0 : index
      %swap3A_132 = arith.constant 8 : index
      %swap3A_133 = arith.constant 0 : index
      %swap3A_134 = vector.load %arg2[%swap3A_131, %swap3A_132, %swap3A_133] : memref<4x128x128xf32, #tpu.memory_space<vmem>>, vector<4x8x128xf32>
      tpu.vector_store %arg2[%swap3A_131, %swap3A_132, %swap3A_133], %min3A_130 {strides = array<i32>} : memref<4x128x128xf32, #tpu.memory_space<vmem>>, vector<4x8x128xf32>,
      %add3A_135 = arith.constant 8 : i32
      %add3A_136 = vector.broadcast %add3A_135 : i32 to vector<4x8x128xi32>
      %add3A_137 = arith.addi %add3A, %add3A_136 : vector<4x8x128xi32>
      %gt3A = arith.cmpf ogt, %min3A_130, %min3A : vector<4x8x128xf32>
      %select_n3A_138 = arith.select %gt3A, %min3A_130, %min3A : vector<4x8x128xi1>, vector<4x8x128xf32>
      %select_n3A_139 = arith.select %gt3A, %add3A_137, %add3A_96 : vector<4x8x128xi1>, vector<4x8x128xi32>
      %select_n3A_140 = arith.select %gt3A, %get3A_102, %get3A_62 : vector<4x8x128xi1>, vector<4x8x128xf32>
      %select_n3A_141 = arith.select %gt3A, %get3A_108, %get3A_68 : vector<4x8x128xi1>, vector<4x8x128xf32>
      %select_n3A_142 = arith.select %gt3A, %get3A_114, %get3A_74 : vector<4x8x128xi1>, vector<4x8x128xf32>
      %get3A_143 = arith.constant 0 : index
      %get3A_144 = arith.constant 0 : index
      %get3A_145 = arith.constant 16 : index
      %get3A_146 = arith.constant 0 : index
      %get3A_147 = vector.load %arg0[%get3A_143, %get3A_144, %get3A_145, %get3A_146] : memref<4x3x128x128xf32, #tpu.memory_space<vmem>>, vector<4x1x8x128xf32>
      %get3A_148 = vector.shape_cast %get3A_147 : vector<4x1x8x128xf32> to vector<4x8x128xf32>
      %get3A_149 = arith.constant 0 : index
      %get3A_150 = arith.constant 1 : index
      %get3A_151 = arith.constant 16 : index
      %get3A_152 = arith.constant 0 : index
      %get3A_153 = vector.load %arg0[%get3A_149, %get3A_150, %get3A_151, %get3A_152] : memref<4x3x128x128xf32, #tpu.memory_space<vmem>>, vector<4x1x8x128xf32>
      %get3A_154 = vector.shape_cast %get3A_153 : vector<4x1x8x128xf32> to vector<4x8x128xf32>
      %get3A_155 = arith.constant 0 : index
      %get3A_156 = arith.constant 2 : index
      %get3A_157 = arith.constant 16 : index
      %get3A_158 = arith.constant 0 : index
      %get3A_159 = vector.load %arg0[%get3A_155, %get3A_156, %get3A_157, %get3A_158] : memref<4x3x128x128xf32, #tpu.memory_space<vmem>>, vector<4x1x8x128xf32>
      %get3A_160 = vector.shape_cast %get3A_159 : vector<4x1x8x128xf32> to vector<4x8x128xf32>
      %sub3A_161 = vector.broadcast %scan3A_34 : vector<4x1x1xf32> to vector<4x8x128xf32>
      %sub3A_162 = arith.subf %get3A_148, %sub3A_161 : vector<4x8x128xf32>
      %sub3A_163 = vector.broadcast %scan3A_35 : vector<4x1x1xf32> to vector<4x8x128xf32>
      %sub3A_164 = arith.subf %get3A_154, %sub3A_163 : vector<4x8x128xf32>
      %sub3A_165 = vector.broadcast %scan3A_36 : vector<4x1x1xf32> to vector<4x8x128xf32>
      %sub3A_166 = arith.subf %get3A_160, %sub3A_165 : vector<4x8x128xf32>
      %mul3A_167 = arith.mulf %sub3A_162, %sub3A_162 : vector<4x8x128xf32>
      %mul3A_168 = arith.mulf %sub3A_164, %sub3A_164 : vector<4x8x128xf32>
      %add3A_169 = arith.addf %mul3A_167, %mul3A_168 : vector<4x8x128xf32>
      %mul3A_170 = arith.mulf %sub3A_166, %sub3A_166 : vector<4x8x128xf32>
      %add3A_171 = arith.addf %add3A_169, %mul3A_170 : vector<4x8x128xf32>
      %get3A_172 = arith.constant 0 : index
      %get3A_173 = arith.constant 16 : index
      %get3A_174 = arith.constant 0 : index
      %get3A_175 = vector.load %arg2[%get3A_172, %get3A_173, %get3A_174] : memref<4x128x128xf32, #tpu.memory_space<vmem>>, vector<4x8x128xf32>
      %min3A_176 = arith.minimumf %get3A_175, %add3A_171 : vector<4x8x128xf32>
      %swap3A_177 = arith.constant 0 : index
      %swap3A_178 = arith.constant 16 : index
      %swap3A_179 = arith.constant 0 : index
      %swap3A_180 = vector.load %arg2[%swap3A_177, %swap3A_178, %swap3A_179] : memref<4x128x128xf32, #tpu.memory_space<vmem>>, vector<4x8x128xf32>
      tpu.vector_store %arg2[%swap3A_177, %swap3A_178, %swap3A_179], %min3A_176 {strides = array<i32>} : memref<4x128x128xf32, #tpu.memory_space<vmem>>, vector<4x8x128xf32>,
      %add3A_181 = arith.constant 16 : i32
      %add3A_182 = vector.broadcast %add3A_181 : i32 to vector<4x8x128xi32>
      %add3A_183 = arith.addi %add3A, %add3A_182 : vector<4x8x128xi32>
      %gt3A_184 = arith.cmpf ogt, %min3A_176, %select_n3A_138 : vector<4x8x128xf32>
      %select_n3A_185 = arith.select %gt3A_184, %min3A_176, %select_n3A_138 : vector<4x8x128xi1>, vector<4x8x128xf32>
      %select_n3A_186 = arith.select %gt3A_184, %add3A_183, %select_n3A_139 : vector<4x8x128xi1>, vector<4x8x128xi32>
      %select_n3A_187 = arith.select %gt3A_184, %get3A_148, %select_n3A_140 : vector<4x8x128xi1>, vector<4x8x128xf32>
      %select_n3A_188 = arith.select %gt3A_184, %get3A_154, %select_n3A_141 : vector<4x8x128xi1>, vector<4x8x128xf32>
      %select_n3A_189 = arith.select %gt3A_184, %get3A_160, %select_n3A_142 : vector<4x8x128xi1>, vector<4x8x128xf32>
      %get3A_190 = arith.constant 0 : index
      %get3A_191 = arith.constant 0 : index
      %get3A_192 = arith.constant 24 : index
      %get3A_193 = arith.constant 0 : index
      %get3A_194 = vector.load %arg0[%get3A_190, %get3A_191, %get3A_192, %get3A_193] : memref<4x3x128x128xf32, #tpu.memory_space<vmem>>, vector<4x1x8x128xf32>
      %get3A_195 = vector.shape_cast %get3A_194 : vector<4x1x8x128xf32> to vector<4x8x128xf32>
      %get3A_196 = arith.constant 0 : index
      %get3A_197 = arith.constant 1 : index
      %get3A_198 = arith.constant 24 : index
      %get3A_199 = arith.constant 0 : index
      %get3A_200 = vector.load %arg0[%get3A_196, %get3A_197, %get3A_198, %get3A_199] : memref<4x3x128x128xf32, #tpu.memory_space<vmem>>, vector<4x1x8x128xf32>
      %get3A_201 = vector.shape_cast %get3A_200 : vector<4x1x8x128xf32> to vector<4x8x128xf32>
      %get3A_202 = arith.constant 0 : index
      %get3A_203 = arith.constant 2 : index
      %get3A_204 = arith.constant 24 : index
      %get3A_205 = arith.constant 0 : index
      %get3A_206 = vector.load %arg0[%get3A_202, %get3A_203, %get3A_204, %get3A_205] : memref<4x3x128x128xf32, #tpu.memory_space<vmem>>, vector<4x1x8x128xf32>
      %get3A_207 = vector.shape_cast %get3A_206 : vector<4x1x8x128xf32> to vector<4x8x128xf32>
      %sub3A_208 = vector.broadcast %scan3A_34 : vector<4x1x1xf32> to vector<4x8x128xf32>
      %sub3A_209 = arith.subf %get3A_195, %sub3A_208 : vector<4x8x128xf32>
      %sub3A_210 = vector.broadcast %scan3A_35 : vector<4x1x1xf32> to vector<4x8x128xf32>
      %sub3A_211 = arith.subf %get3A_201, %sub3A_210 : vector<4x8x128xf32>
      %sub3A_212 = vector.broadcast %scan3A_36 : vector<4x1x1xf32> to vector<4x8x128xf32>
      %sub3A_213 = arith.subf %get3A_207, %sub3A_212 : vector<4x8x128xf32>
      %mul3A_214 = arith.mulf %sub3A_209, %sub3A_209 : vector<4x8x128xf32>
      %mul3A_215 = arith.mulf %sub3A_211, %sub3A_211 : vector<4x8x128xf32>
      %add3A_216 = arith.addf %mul3A_214, %mul3A_215 : vector<4x8x128xf32>
      %mul3A_217 = arith.mulf %sub3A_213, %sub3A_213 : vector<4x8x128xf32>
      %add3A_218 = arith.addf %add3A_216, %mul3A_217 : vector<4x8x128xf32>
      %get3A_219 = arith.constant 0 : index
      %get3A_220 = arith.constant 24 : index
      %get3A_221 = arith.constant 0 : index
      %get3A_222 = vector.load %arg2[%get3A_219, %get3A_220, %get3A_221] : memref<4x128x128xf32, #tpu.memory_space<vmem>>, vector<4x8x128xf32>
      %min3A_223 = arith.minimumf %get3A_222, %add3A_218 : vector<4x8x128xf32>
      %swap3A_224 = arith.constant 0 : index
      %swap3A_225 = arith.constant 24 : index
      %swap3A_226 = arith.constant 0 : index
      %swap3A_227 = vector.load %arg2[%swap3A_224, %swap3A_225, %swap3A_226] : memref<4x128x128xf32, #tpu.memory_space<vmem>>, vector<4x8x128xf32>
      tpu.vector_store %arg2[%swap3A_224, %swap3A_225, %swap3A_226], %min3A_223 {strides = array<i32>} : memref<4x128x128xf32, #tpu.memory_space<vmem>>, vector<4x8x128xf32>,
      %add3A_228 = arith.constant 24 : i32
      %add3A_229 = vector.broadcast %add3A_228 : i32 to vector<4x8x128xi32>
      %add3A_230 = arith.addi %add3A, %add3A_229 : vector<4x8x128xi32>
      %gt3A_231 = arith.cmpf ogt, %min3A_223, %select_n3A_185 : vector<4x8x128xf32>
      %select_n3A_232 = arith.select %gt3A_231, %min3A_223, %select_n3A_185 : vector<4x8x128xi1>, vector<4x8x128xf32>
      %select_n3A_233 = arith.select %gt3A_231, %add3A_230, %select_n3A_186 : vector<4x8x128xi1>, vector<4x8x128xi32>
      %select_n3A_234 = arith.select %gt3A_231, %get3A_195, %select_n3A_187 : vector<4x8x128xi1>, vector<4x8x128xf32>
      %select_n3A_235 = arith.select %gt3A_231, %get3A_201, %select_n3A_188 : vector<4x8x128xi1>, vector<4x8x128xf32>
      %select_n3A_236 = arith.select %gt3A_231, %get3A_207, %select_n3A_189 : vector<4x8x128xi1>, vector<4x8x128xf32>
      %get3A_237 = arith.constant 0 : index
      %get3A_238 = arith.constant 0 : index
      %get3A_239 = arith.constant 32 : index
      %get3A_240 = arith.constant 0 : index
      %get3A_241 = vector.load %arg0[%get3A_237, %get3A_238, %get3A_239, %get3A_240] : memref<4x3x128x128xf32, #tpu.memory_space<vmem>>, vector<4x1x8x128xf32>
      %get3A_242 = vector.shape_cast %get3A_241 : vector<4x1x8x128xf32> to vector<4x8x128xf32>
      %get3A_243 = arith.constant 0 : index
      %get3A_244 = arith.constant 1 : index
      %get3A_245 = arith.constant 32 : index
      %get3A_246 = arith.constant 0 : index
      %get3A_247 = vector.load %arg0[%get3A_243, %get3A_244, %get3A_245, %get3A_246] : memref<4x3x128x128xf32, #tpu.memory_space<vmem>>, vector<4x1x8x128xf32>
      %get3A_248 = vector.shape_cast %get3A_247 : vector<4x1x8x128xf32> to vector<4x8x128xf32>
      %get3A_249 = arith.constant 0 : index
      %get3A_250 = arith.constant 2 : index
      %get3A_251 = arith.constant 32 : index
      %get3A_252 = arith.constant 0 : index
      %get3A_253 = vector.load %arg0[%get3A_249, %get3A_250, %get3A_251, %get3A_252] : memref<4x3x128x128xf32, #tpu.memory_space<vmem>>, vector<4x1x8x128xf32>
      %get3A_254 = vector.shape_cast %get3A_253 : vector<4x1x8x128xf32> to vector<4x8x128xf32>
      %sub3A_255 = vector.broadcast %scan3A_34 : vector<4x1x1xf32> to vector<4x8x128xf32>
      %sub3A_256 = arith.subf %get3A_242, %sub3A_255 : vector<4x8x128xf32>
      %sub3A_257 = vector.broadcast %scan3A_35 : vector<4x1x1xf32> to vector<4x8x128xf32>
      %sub3A_258 = arith.subf %get3A_248, %sub3A_257 : vector<4x8x128xf32>
      %sub3A_259 = vector.broadcast %scan3A_36 : vector<4x1x1xf32> to vector<4x8x128xf32>
      %sub3A_260 = arith.subf %get3A_254, %sub3A_259 : vector<4x8x128xf32>
      %mul3A_261 = arith.mulf %sub3A_256, %sub3A_256 : vector<4x8x128xf32>
      %mul3A_262 = arith.mulf %sub3A_258, %sub3A_258 : vector<4x8x128xf32>
      %add3A_263 = arith.addf %mul3A_261, %mul3A_262 : vector<4x8x128xf32>
      %mul3A_264 = arith.mulf %sub3A_260, %sub3A_260 : vector<4x8x128xf32>
      %add3A_265 = arith.addf %add3A_263, %mul3A_264 : vector<4x8x128xf32>
      %get3A_266 = arith.constant 0 : index
      %get3A_267 = arith.constant 32 : index
      %get3A_268 = arith.constant 0 : index
      %get3A_269 = vector.load %arg2[%get3A_266, %get3A_267, %get3A_268] : memref<4x128x128xf32, #tpu.memory_space<vmem>>, vector<4x8x128xf32>
      %min3A_270 = arith.minimumf %get3A_269, %add3A_265 : vector<4x8x128xf32>
      %swap3A_271 = arith.constant 0 : index
      %swap3A_272 = arith.constant 32 : index
      %swap3A_273 = arith.constant 0 : index
      %swap3A_274 = vector.load %arg2[%swap3A_271, %swap3A_272, %swap3A_273] : memref<4x128x128xf32, #tpu.memory_space<vmem>>, vector<4x8x128xf32>
      tpu.vector_store %arg2[%swap3A_271, %swap3A_272, %swap3A_273], %min3A_270 {strides = array<i32>} : memref<4x128x128xf32, #tpu.memory_space<vmem>>, vector<4x8x128xf32>,
      %add3A_275 = arith.constant 32 : i32
      %add3A_276 = vector.broadcast %add3A_275 : i32 to vector<4x8x128xi32>
      %add3A_277 = arith.addi %add3A, %add3A_276 : vector<4x8x128xi32>
      %gt3A_278 = arith.cmpf ogt, %min3A_270, %select_n3A_232 : vector<4x8x128xf32>
      %select_n3A_279 = arith.select %gt3A_278, %min3A_270, %select_n3A_232 : vector<4x8x128xi1>, vector<4x8x128xf32>
      %select_n3A_280 = arith.select %gt3A_278, %add3A_277, %select_n3A_233 : vector<4x8x128xi1>, vector<4x8x128xi32>
      %select_n3A_281 = arith.select %gt3A_278, %get3A_242, %select_n3A_234 : vector<4x8x128xi1>, vector<4x8x128xf32>
      %select_n3A_282 = arith.select %gt3A_278, %get3A_248, %select_n3A_235 : vector<4x8x128xi1>, vector<4x8x128xf32>
      %select_n3A_283 = arith.select %gt3A_278, %get3A_254, %select_n3A_236 : vector<4x8x128xi1>, vector<4x8x128xf32>
      %get3A_284 = arith.constant 0 : index
      %get3A_285 = arith.constant 0 : index
      %get3A_286 = arith.constant 40 : index
      %get3A_287 = arith.constant 0 : index
      %get3A_288 = vector.load %arg0[%get3A_284, %get3A_285, %get3A_286, %get3A_287] : memref<4x3x128x128xf32, #tpu.memory_space<vmem>>, vector<4x1x8x128xf32>
      %get3A_289 = vector.shape_cast %get3A_288 : vector<4x1x8x128xf32> to vector<4x8x128xf32>
      %get3A_290 = arith.constant 0 : index
      %get3A_291 = arith.constant 1 : index
      %get3A_292 = arith.constant 40 : index
      %get3A_293 = arith.constant 0 : index
      %get3A_294 = vector.load %arg0[%get3A_290, %get3A_291, %get3A_292, %get3A_293] : memref<4x3x128x128xf32, #tpu.memory_space<vmem>>, vector<4x1x8x128xf32>
      %get3A_295 = vector.shape_cast %get3A_294 : vector<4x1x8x128xf32> to vector<4x8x128xf32>
      %get3A_296 = arith.constant 0 : index
      %get3A_297 = arith.constant 2 : index
      %get3A_298 = arith.constant 40 : index
      %get3A_299 = arith.constant 0 : index
      %get3A_300 = vector.load %arg0[%get3A_296, %get3A_297, %get3A_298, %get3A_299] : memref<4x3x128x128xf32, #tpu.memory_space<vmem>>, vector<4x1x8x128xf32>
      %get3A_301 = vector.shape_cast %get3A_300 : vector<4x1x8x128xf32> to vector<4x8x128xf32>
      %sub3A_302 = vector.broadcast %scan3A_34 : vector<4x1x1xf32> to vector<4x8x128xf32>
      %sub3A_303 = arith.subf %get3A_289, %sub3A_302 : vector<4x8x128xf32>
      %sub3A_304 = vector.broadcast %scan3A_35 : vector<4x1x1xf32> to vector<4x8x128xf32>
      %sub3A_305 = arith.subf %get3A_295, %sub3A_304 : vector<4x8x128xf32>
      %sub3A_306 = vector.broadcast %scan3A_36 : vector<4x1x1xf32> to vector<4x8x128xf32>
      %sub3A_307 = arith.subf %get3A_301, %sub3A_306 : vector<4x8x128xf32>
      %mul3A_308 = arith.mulf %sub3A_303, %sub3A_303 : vector<4x8x128xf32>
      %mul3A_309 = arith.mulf %sub3A_305, %sub3A_305 : vector<4x8x128xf32>
      %add3A_310 = arith.addf %mul3A_308, %mul3A_309 : vector<4x8x128xf32>
      %mul3A_311 = arith.mulf %sub3A_307, %sub3A_307 : vector<4x8x128xf32>
      %add3A_312 = arith.addf %add3A_310, %mul3A_311 : vector<4x8x128xf32>
      %get3A_313 = arith.constant 0 : index
      %get3A_314 = arith.constant 40 : index
      %get3A_315 = arith.constant 0 : index
      %get3A_316 = vector.load %arg2[%get3A_313, %get3A_314, %get3A_315] : memref<4x128x128xf32, #tpu.memory_space<vmem>>, vector<4x8x128xf32>
      %min3A_317 = arith.minimumf %get3A_316, %add3A_312 : vector<4x8x128xf32>
      %swap3A_318 = arith.constant 0 : index
      %swap3A_319 = arith.constant 40 : index
      %swap3A_320 = arith.constant 0 : index
      %swap3A_321 = vector.load %arg2[%swap3A_318, %swap3A_319, %swap3A_320] : memref<4x128x128xf32, #tpu.memory_space<vmem>>, vector<4x8x128xf32>
      tpu.vector_store %arg2[%swap3A_318, %swap3A_319, %swap3A_320], %min3A_317 {strides = array<i32>} : memref<4x128x128xf32, #tpu.memory_space<vmem>>, vector<4x8x128xf32>,
      %add3A_322 = arith.constant 40 : i32
      %add3A_323 = vector.broadcast %add3A_322 : i32 to vector<4x8x128xi32>
      %add3A_324 = arith.addi %add3A, %add3A_323 : vector<4x8x128xi32>
      %gt3A_325 = arith.cmpf ogt, %min3A_317, %select_n3A_279 : vector<4x8x128xf32>
      %select_n3A_326 = arith.select %gt3A_325, %min3A_317, %select_n3A_279 : vector<4x8x128xi1>, vector<4x8x128xf32>
      %select_n3A_327 = arith.select %gt3A_325, %add3A_324, %select_n3A_280 : vector<4x8x128xi1>, vector<4x8x128xi32>
      %select_n3A_328 = arith.select %gt3A_325, %get3A_289, %select_n3A_281 : vector<4x8x128xi1>, vector<4x8x128xf32>
      %select_n3A_329 = arith.select %gt3A_325, %get3A_295, %select_n3A_282 : vector<4x8x128xi1>, vector<4x8x128xf32>
      %select_n3A_330 = arith.select %gt3A_325, %get3A_301, %select_n3A_283 : vector<4x8x128xi1>, vector<4x8x128xf32>
      %get3A_331 = arith.constant 0 : index
      %get3A_332 = arith.constant 0 : index
      %get3A_333 = arith.constant 48 : index
      %get3A_334 = arith.constant 0 : index
      %get3A_335 = vector.load %arg0[%get3A_331, %get3A_332, %get3A_333, %get3A_334] : memref<4x3x128x128xf32, #tpu.memory_space<vmem>>, vector<4x1x8x128xf32>
      %get3A_336 = vector.shape_cast %get3A_335 : vector<4x1x8x128xf32> to vector<4x8x128xf32>
      %get3A_337 = arith.constant 0 : index
      %get3A_338 = arith.constant 1 : index
      %get3A_339 = arith.constant 48 : index
      %get3A_340 = arith.constant 0 : index
      %get3A_341 = vector.load %arg0[%get3A_337, %get3A_338, %get3A_339, %get3A_340] : memref<4x3x128x128xf32, #tpu.memory_space<vmem>>, vector<4x1x8x128xf32>
      %get3A_342 = vector.shape_cast %get3A_341 : vector<4x1x8x128xf32> to vector<4x8x128xf32>
      %get3A_343 = arith.constant 0 : index
      %get3A_344 = arith.constant 2 : index
      %get3A_345 = arith.constant 48 : index
      %get3A_346 = arith.constant 0 : index
      %get3A_347 = vector.load %arg0[%get3A_343, %get3A_344, %get3A_345, %get3A_346] : memref<4x3x128x128xf32, #tpu.memory_space<vmem>>, vector<4x1x8x128xf32>
      %get3A_348 = vector.shape_cast %get3A_347 : vector<4x1x8x128xf32> to vector<4x8x128xf32>
      %sub3A_349 = vector.broadcast %scan3A_34 : vector<4x1x1xf32> to vector<4x8x128xf32>
      %sub3A_350 = arith.subf %get3A_336, %sub3A_349 : vector<4x8x128xf32>
      %sub3A_351 = vector.broadcast %scan3A_35 : vector<4x1x1xf32> to vector<4x8x128xf32>
      %sub3A_352 = arith.subf %get3A_342, %sub3A_351 : vector<4x8x128xf32>
      %sub3A_353 = vector.broadcast %scan3A_36 : vector<4x1x1xf32> to vector<4x8x128xf32>
      %sub3A_354 = arith.subf %get3A_348, %sub3A_353 : vector<4x8x128xf32>
      %mul3A_355 = arith.mulf %sub3A_350, %sub3A_350 : vector<4x8x128xf32>
      %mul3A_356 = arith.mulf %sub3A_352, %sub3A_352 : vector<4x8x128xf32>
      %add3A_357 = arith.addf %mul3A_355, %mul3A_356 : vector<4x8x128xf32>
      %mul3A_358 = arith.mulf %sub3A_354, %sub3A_354 : vector<4x8x128xf32>
      %add3A_359 = arith.addf %add3A_357, %mul3A_358 : vector<4x8x128xf32>
      %get3A_360 = arith.constant 0 : index
      %get3A_361 = arith.constant 48 : index
      %get3A_362 = arith.constant 0 : index
      %get3A_363 = vector.load %arg2[%get3A_360, %get3A_361, %get3A_362] : memref<4x128x128xf32, #tpu.memory_space<vmem>>, vector<4x8x128xf32>
      %min3A_364 = arith.minimumf %get3A_363, %add3A_359 : vector<4x8x128xf32>
      %swap3A_365 = arith.constant 0 : index
      %swap3A_366 = arith.constant 48 : index
      %swap3A_367 = arith.constant 0 : index
      %swap3A_368 = vector.load %arg2[%swap3A_365, %swap3A_366, %swap3A_367] : memref<4x128x128xf32, #tpu.memory_space<vmem>>, vector<4x8x128xf32>
      tpu.vector_store %arg2[%swap3A_365, %swap3A_366, %swap3A_367], %min3A_364 {strides = array<i32>} : memref<4x128x128xf32, #tpu.memory_space<vmem>>, vector<4x8x128xf32>,
      %add3A_369 = arith.constant 48 : i32
      %add3A_370 = vector.broadcast %add3A_369 : i32 to vector<4x8x128xi32>
      %add3A_371 = arith.addi %add3A, %add3A_370 : vector<4x8x128xi32>
      %gt3A_372 = arith.cmpf ogt, %min3A_364, %select_n3A_326 : vector<4x8x128xf32>
      %select_n3A_373 = arith.select %gt3A_372, %min3A_364, %select_n3A_326 : vector<4x8x128xi1>, vector<4x8x128xf32>
      %select_n3A_374 = arith.select %gt3A_372, %add3A_371, %select_n3A_327 : vector<4x8x128xi1>, vector<4x8x128xi32>
      %select_n3A_375 = arith.select %gt3A_372, %get3A_336, %select_n3A_328 : vector<4x8x128xi1>, vector<4x8x128xf32>
      %select_n3A_376 = arith.select %gt3A_372, %get3A_342, %select_n3A_329 : vector<4x8x128xi1>, vector<4x8x128xf32>
      %select_n3A_377 = arith.select %gt3A_372, %get3A_348, %select_n3A_330 : vector<4x8x128xi1>, vector<4x8x128xf32>
      %get3A_378 = arith.constant 0 : index
      %get3A_379 = arith.constant 0 : index
      %get3A_380 = arith.constant 56 : index
      %get3A_381 = arith.constant 0 : index
      %get3A_382 = vector.load %arg0[%get3A_378, %get3A_379, %get3A_380, %get3A_381] : memref<4x3x128x128xf32, #tpu.memory_space<vmem>>, vector<4x1x8x128xf32>
      %get3A_383 = vector.shape_cast %get3A_382 : vector<4x1x8x128xf32> to vector<4x8x128xf32>
      %get3A_384 = arith.constant 0 : index
      %get3A_385 = arith.constant 1 : index
      %get3A_386 = arith.constant 56 : index
      %get3A_387 = arith.constant 0 : index
      %get3A_388 = vector.load %arg0[%get3A_384, %get3A_385, %get3A_386, %get3A_387] : memref<4x3x128x128xf32, #tpu.memory_space<vmem>>, vector<4x1x8x128xf32>
      %get3A_389 = vector.shape_cast %get3A_388 : vector<4x1x8x128xf32> to vector<4x8x128xf32>
      %get3A_390 = arith.constant 0 : index
      %get3A_391 = arith.constant 2 : index
      %get3A_392 = arith.constant 56 : index
      %get3A_393 = arith.constant 0 : index
      %get3A_394 = vector.load %arg0[%get3A_390, %get3A_391, %get3A_392, %get3A_393] : memref<4x3x128x128xf32, #tpu.memory_space<vmem>>, vector<4x1x8x128xf32>
      %get3A_395 = vector.shape_cast %get3A_394 : vector<4x1x8x128xf32> to vector<4x8x128xf32>
      %sub3A_396 = vector.broadcast %scan3A_34 : vector<4x1x1xf32> to vector<4x8x128xf32>
      %sub3A_397 = arith.subf %get3A_383, %sub3A_396 : vector<4x8x128xf32>
      %sub3A_398 = vector.broadcast %scan3A_35 : vector<4x1x1xf32> to vector<4x8x128xf32>
      %sub3A_399 = arith.subf %get3A_389, %sub3A_398 : vector<4x8x128xf32>
      %sub3A_400 = vector.broadcast %scan3A_36 : vector<4x1x1xf32> to vector<4x8x128xf32>
      %sub3A_401 = arith.subf %get3A_395, %sub3A_400 : vector<4x8x128xf32>
      %mul3A_402 = arith.mulf %sub3A_397, %sub3A_397 : vector<4x8x128xf32>
      %mul3A_403 = arith.mulf %sub3A_399, %sub3A_399 : vector<4x8x128xf32>
      %add3A_404 = arith.addf %mul3A_402, %mul3A_403 : vector<4x8x128xf32>
      %mul3A_405 = arith.mulf %sub3A_401, %sub3A_401 : vector<4x8x128xf32>
      %add3A_406 = arith.addf %add3A_404, %mul3A_405 : vector<4x8x128xf32>
      %get3A_407 = arith.constant 0 : index
      %get3A_408 = arith.constant 56 : index
      %get3A_409 = arith.constant 0 : index
      %get3A_410 = vector.load %arg2[%get3A_407, %get3A_408, %get3A_409] : memref<4x128x128xf32, #tpu.memory_space<vmem>>, vector<4x8x128xf32>
      %min3A_411 = arith.minimumf %get3A_410, %add3A_406 : vector<4x8x128xf32>
      %swap3A_412 = arith.constant 0 : index
      %swap3A_413 = arith.constant 56 : index
      %swap3A_414 = arith.constant 0 : index
      %swap3A_415 = vector.load %arg2[%swap3A_412, %swap3A_413, %swap3A_414] : memref<4x128x128xf32, #tpu.memory_space<vmem>>, vector<4x8x128xf32>
      tpu.vector_store %arg2[%swap3A_412, %swap3A_413, %swap3A_414], %min3A_411 {strides = array<i32>} : memref<4x128x128xf32, #tpu.memory_space<vmem>>, vector<4x8x128xf32>,
      %add3A_416 = arith.constant 56 : i32
      %add3A_417 = vector.broadcast %add3A_416 : i32 to vector<4x8x128xi32>
      %add3A_418 = arith.addi %add3A, %add3A_417 : vector<4x8x128xi32>
      %gt3A_419 = arith.cmpf ogt, %min3A_411, %select_n3A_373 : vector<4x8x128xf32>
      %select_n3A_420 = arith.select %gt3A_419, %min3A_411, %select_n3A_373 : vector<4x8x128xi1>, vector<4x8x128xf32>
      %select_n3A_421 = arith.select %gt3A_419, %add3A_418, %select_n3A_374 : vector<4x8x128xi1>, vector<4x8x128xi32>
      %select_n3A_422 = arith.select %gt3A_419, %get3A_383, %select_n3A_375 : vector<4x8x128xi1>, vector<4x8x128xf32>
      %select_n3A_423 = arith.select %gt3A_419, %get3A_389, %select_n3A_376 : vector<4x8x128xi1>, vector<4x8x128xf32>
      %select_n3A_424 = arith.select %gt3A_419, %get3A_395, %select_n3A_377 : vector<4x8x128xi1>, vector<4x8x128xf32>
      %get3A_425 = arith.constant 0 : index
      %get3A_426 = arith.constant 0 : index
      %get3A_427 = arith.constant 64 : index
      %get3A_428 = arith.constant 0 : index
      %get3A_429 = vector.load %arg0[%get3A_425, %get3A_426, %get3A_427, %get3A_428] : memref<4x3x128x128xf32, #tpu.memory_space<vmem>>, vector<4x1x8x128xf32>
      %get3A_430 = vector.shape_cast %get3A_429 : vector<4x1x8x128xf32> to vector<4x8x128xf32>
      %get3A_431 = arith.constant 0 : index
      %get3A_432 = arith.constant 1 : index
      %get3A_433 = arith.constant 64 : index
      %get3A_434 = arith.constant 0 : index
      %get3A_435 = vector.load %arg0[%get3A_431, %get3A_432, %get3A_433, %get3A_434] : memref<4x3x128x128xf32, #tpu.memory_space<vmem>>, vector<4x1x8x128xf32>
      %get3A_436 = vector.shape_cast %get3A_435 : vector<4x1x8x128xf32> to vector<4x8x128xf32>
      %get3A_437 = arith.constant 0 : index
      %get3A_438 = arith.constant 2 : index
      %get3A_439 = arith.constant 64 : index
      %get3A_440 = arith.constant 0 : index
      %get3A_441 = vector.load %arg0[%get3A_437, %get3A_438, %get3A_439, %get3A_440] : memref<4x3x128x128xf32, #tpu.memory_space<vmem>>, vector<4x1x8x128xf32>
      %get3A_442 = vector.shape_cast %get3A_441 : vector<4x1x8x128xf32> to vector<4x8x128xf32>
      %sub3A_443 = vector.broadcast %scan3A_34 : vector<4x1x1xf32> to vector<4x8x128xf32>
      %sub3A_444 = arith.subf %get3A_430, %sub3A_443 : vector<4x8x128xf32>
      %sub3A_445 = vector.broadcast %scan3A_35 : vector<4x1x1xf32> to vector<4x8x128xf32>
      %sub3A_446 = arith.subf %get3A_436, %sub3A_445 : vector<4x8x128xf32>
      %sub3A_447 = vector.broadcast %scan3A_36 : vector<4x1x1xf32> to vector<4x8x128xf32>
      %sub3A_448 = arith.subf %get3A_442, %sub3A_447 : vector<4x8x128xf32>
      %mul3A_449 = arith.mulf %sub3A_444, %sub3A_444 : vector<4x8x128xf32>
      %mul3A_450 = arith.mulf %sub3A_446, %sub3A_446 : vector<4x8x128xf32>
      %add3A_451 = arith.addf %mul3A_449, %mul3A_450 : vector<4x8x128xf32>
      %mul3A_452 = arith.mulf %sub3A_448, %sub3A_448 : vector<4x8x128xf32>
      %add3A_453 = arith.addf %add3A_451, %mul3A_452 : vector<4x8x128xf32>
      %get3A_454 = arith.constant 0 : index
      %get3A_455 = arith.constant 64 : index
      %get3A_456 = arith.constant 0 : index
      %get3A_457 = vector.load %arg2[%get3A_454, %get3A_455, %get3A_456] : memref<4x128x128xf32, #tpu.memory_space<vmem>>, vector<4x8x128xf32>
      %min3A_458 = arith.minimumf %get3A_457, %add3A_453 : vector<4x8x128xf32>
      %swap3A_459 = arith.constant 0 : index
      %swap3A_460 = arith.constant 64 : index
      %swap3A_461 = arith.constant 0 : index
      %swap3A_462 = vector.load %arg2[%swap3A_459, %swap3A_460, %swap3A_461] : memref<4x128x128xf32, #tpu.memory_space<vmem>>, vector<4x8x128xf32>
      tpu.vector_store %arg2[%swap3A_459, %swap3A_460, %swap3A_461], %min3A_458 {strides = array<i32>} : memref<4x128x128xf32, #tpu.memory_space<vmem>>, vector<4x8x128xf32>,
      %add3A_463 = arith.constant 64 : i32
      %add3A_464 = vector.broadcast %add3A_463 : i32 to vector<4x8x128xi32>
      %add3A_465 = arith.addi %add3A, %add3A_464 : vector<4x8x128xi32>
      %gt3A_466 = arith.cmpf ogt, %min3A_458, %select_n3A_420 : vector<4x8x128xf32>
      %select_n3A_467 = arith.select %gt3A_466, %min3A_458, %select_n3A_420 : vector<4x8x128xi1>, vector<4x8x128xf32>
      %select_n3A_468 = arith.select %gt3A_466, %add3A_465, %select_n3A_421 : vector<4x8x128xi1>, vector<4x8x128xi32>
      %select_n3A_469 = arith.select %gt3A_466, %get3A_430, %select_n3A_422 : vector<4x8x128xi1>, vector<4x8x128xf32>
      %select_n3A_470 = arith.select %gt3A_466, %get3A_436, %select_n3A_423 : vector<4x8x128xi1>, vector<4x8x128xf32>
      %select_n3A_471 = arith.select %gt3A_466, %get3A_442, %select_n3A_424 : vector<4x8x128xi1>, vector<4x8x128xf32>
      %get3A_472 = arith.constant 0 : index
      %get3A_473 = arith.constant 0 : index
      %get3A_474 = arith.constant 72 : index
      %get3A_475 = arith.constant 0 : index
      %get3A_476 = vector.load %arg0[%get3A_472, %get3A_473, %get3A_474, %get3A_475] : memref<4x3x128x128xf32, #tpu.memory_space<vmem>>, vector<4x1x8x128xf32>
      %get3A_477 = vector.shape_cast %get3A_476 : vector<4x1x8x128xf32> to vector<4x8x128xf32>
      %get3A_478 = arith.constant 0 : index
      %get3A_479 = arith.constant 1 : index
      %get3A_480 = arith.constant 72 : index
      %get3A_481 = arith.constant 0 : index
      %get3A_482 = vector.load %arg0[%get3A_478, %get3A_479, %get3A_480, %get3A_481] : memref<4x3x128x128xf32, #tpu.memory_space<vmem>>, vector<4x1x8x128xf32>
      %get3A_483 = vector.shape_cast %get3A_482 : vector<4x1x8x128xf32> to vector<4x8x128xf32>
      %get3A_484 = arith.constant 0 : index
      %get3A_485 = arith.constant 2 : index
      %get3A_486 = arith.constant 72 : index
      %get3A_487 = arith.constant 0 : index
      %get3A_488 = vector.load %arg0[%get3A_484, %get3A_485, %get3A_486, %get3A_487] : memref<4x3x128x128xf32, #tpu.memory_space<vmem>>, vector<4x1x8x128xf32>
      %get3A_489 = vector.shape_cast %get3A_488 : vector<4x1x8x128xf32> to vector<4x8x128xf32>
      %sub3A_490 = vector.broadcast %scan3A_34 : vector<4x1x1xf32> to vector<4x8x128xf32>
      %sub3A_491 = arith.subf %get3A_477, %sub3A_490 : vector<4x8x128xf32>
      %sub3A_492 = vector.broadcast %scan3A_35 : vector<4x1x1xf32> to vector<4x8x128xf32>
      %sub3A_493 = arith.subf %get3A_483, %sub3A_492 : vector<4x8x128xf32>
      %sub3A_494 = vector.broadcast %scan3A_36 : vector<4x1x1xf32> to vector<4x8x128xf32>
      %sub3A_495 = arith.subf %get3A_489, %sub3A_494 : vector<4x8x128xf32>
      %mul3A_496 = arith.mulf %sub3A_491, %sub3A_491 : vector<4x8x128xf32>
      %mul3A_497 = arith.mulf %sub3A_493, %sub3A_493 : vector<4x8x128xf32>
      %add3A_498 = arith.addf %mul3A_496, %mul3A_497 : vector<4x8x128xf32>
      %mul3A_499 = arith.mulf %sub3A_495, %sub3A_495 : vector<4x8x128xf32>
      %add3A_500 = arith.addf %add3A_498, %mul3A_499 : vector<4x8x128xf32>
      %get3A_501 = arith.constant 0 : index
      %get3A_502 = arith.constant 72 : index
      %get3A_503 = arith.constant 0 : index
      %get3A_504 = vector.load %arg2[%get3A_501, %get3A_502, %get3A_503] : memref<4x128x128xf32, #tpu.memory_space<vmem>>, vector<4x8x128xf32>
      %min3A_505 = arith.minimumf %get3A_504, %add3A_500 : vector<4x8x128xf32>
      %swap3A_506 = arith.constant 0 : index
      %swap3A_507 = arith.constant 72 : index
      %swap3A_508 = arith.constant 0 : index
      %swap3A_509 = vector.load %arg2[%swap3A_506, %swap3A_507, %swap3A_508] : memref<4x128x128xf32, #tpu.memory_space<vmem>>, vector<4x8x128xf32>
      tpu.vector_store %arg2[%swap3A_506, %swap3A_507, %swap3A_508], %min3A_505 {strides = array<i32>} : memref<4x128x128xf32, #tpu.memory_space<vmem>>, vector<4x8x128xf32>,
      %add3A_510 = arith.constant 72 : i32
      %add3A_511 = vector.broadcast %add3A_510 : i32 to vector<4x8x128xi32>
      %add3A_512 = arith.addi %add3A, %add3A_511 : vector<4x8x128xi32>
      %gt3A_513 = arith.cmpf ogt, %min3A_505, %select_n3A_467 : vector<4x8x128xf32>
      %select_n3A_514 = arith.select %gt3A_513, %min3A_505, %select_n3A_467 : vector<4x8x128xi1>, vector<4x8x128xf32>
      %select_n3A_515 = arith.select %gt3A_513, %add3A_512, %select_n3A_468 : vector<4x8x128xi1>, vector<4x8x128xi32>
      %select_n3A_516 = arith.select %gt3A_513, %get3A_477, %select_n3A_469 : vector<4x8x128xi1>, vector<4x8x128xf32>
      %select_n3A_517 = arith.select %gt3A_513, %get3A_483, %select_n3A_470 : vector<4x8x128xi1>, vector<4x8x128xf32>
      %select_n3A_518 = arith.select %gt3A_513, %get3A_489, %select_n3A_471 : vector<4x8x128xi1>, vector<4x8x128xf32>
      %get3A_519 = arith.constant 0 : index
      %get3A_520 = arith.constant 0 : index
      %get3A_521 = arith.constant 80 : index
      %get3A_522 = arith.constant 0 : index
      %get3A_523 = vector.load %arg0[%get3A_519, %get3A_520, %get3A_521, %get3A_522] : memref<4x3x128x128xf32, #tpu.memory_space<vmem>>, vector<4x1x8x128xf32>
      %get3A_524 = vector.shape_cast %get3A_523 : vector<4x1x8x128xf32> to vector<4x8x128xf32>
      %get3A_525 = arith.constant 0 : index
      %get3A_526 = arith.constant 1 : index
      %get3A_527 = arith.constant 80 : index
      %get3A_528 = arith.constant 0 : index
      %get3A_529 = vector.load %arg0[%get3A_525, %get3A_526, %get3A_527, %get3A_528] : memref<4x3x128x128xf32, #tpu.memory_space<vmem>>, vector<4x1x8x128xf32>
      %get3A_530 = vector.shape_cast %get3A_529 : vector<4x1x8x128xf32> to vector<4x8x128xf32>
      %get3A_531 = arith.constant 0 : index
      %get3A_532 = arith.constant 2 : index
      %get3A_533 = arith.constant 80 : index
      %get3A_534 = arith.constant 0 : index
      %get3A_535 = vector.load %arg0[%get3A_531, %get3A_532, %get3A_533, %get3A_534] : memref<4x3x128x128xf32, #tpu.memory_space<vmem>>, vector<4x1x8x128xf32>
      %get3A_536 = vector.shape_cast %get3A_535 : vector<4x1x8x128xf32> to vector<4x8x128xf32>
      %sub3A_537 = vector.broadcast %scan3A_34 : vector<4x1x1xf32> to vector<4x8x128xf32>
      %sub3A_538 = arith.subf %get3A_524, %sub3A_537 : vector<4x8x128xf32>
      %sub3A_539 = vector.broadcast %scan3A_35 : vector<4x1x1xf32> to vector<4x8x128xf32>
      %sub3A_540 = arith.subf %get3A_530, %sub3A_539 : vector<4x8x128xf32>
      %sub3A_541 = vector.broadcast %scan3A_36 : vector<4x1x1xf32> to vector<4x8x128xf32>
      %sub3A_542 = arith.subf %get3A_536, %sub3A_541 : vector<4x8x128xf32>
      %mul3A_543 = arith.mulf %sub3A_538, %sub3A_538 : vector<4x8x128xf32>
      %mul3A_544 = arith.mulf %sub3A_540, %sub3A_540 : vector<4x8x128xf32>
      %add3A_545 = arith.addf %mul3A_543, %mul3A_544 : vector<4x8x128xf32>
      %mul3A_546 = arith.mulf %sub3A_542, %sub3A_542 : vector<4x8x128xf32>
      %add3A_547 = arith.addf %add3A_545, %mul3A_546 : vector<4x8x128xf32>
      %get3A_548 = arith.constant 0 : index
      %get3A_549 = arith.constant 80 : index
      %get3A_550 = arith.constant 0 : index
      %get3A_551 = vector.load %arg2[%get3A_548, %get3A_549, %get3A_550] : memref<4x128x128xf32, #tpu.memory_space<vmem>>, vector<4x8x128xf32>
      %min3A_552 = arith.minimumf %get3A_551, %add3A_547 : vector<4x8x128xf32>
      %swap3A_553 = arith.constant 0 : index
      %swap3A_554 = arith.constant 80 : index
      %swap3A_555 = arith.constant 0 : index
      %swap3A_556 = vector.load %arg2[%swap3A_553, %swap3A_554, %swap3A_555] : memref<4x128x128xf32, #tpu.memory_space<vmem>>, vector<4x8x128xf32>
      tpu.vector_store %arg2[%swap3A_553, %swap3A_554, %swap3A_555], %min3A_552 {strides = array<i32>} : memref<4x128x128xf32, #tpu.memory_space<vmem>>, vector<4x8x128xf32>,
      %add3A_557 = arith.constant 80 : i32
      %add3A_558 = vector.broadcast %add3A_557 : i32 to vector<4x8x128xi32>
      %add3A_559 = arith.addi %add3A, %add3A_558 : vector<4x8x128xi32>
      %gt3A_560 = arith.cmpf ogt, %min3A_552, %select_n3A_514 : vector<4x8x128xf32>
      %select_n3A_561 = arith.select %gt3A_560, %min3A_552, %select_n3A_514 : vector<4x8x128xi1>, vector<4x8x128xf32>
      %select_n3A_562 = arith.select %gt3A_560, %add3A_559, %select_n3A_515 : vector<4x8x128xi1>, vector<4x8x128xi32>
      %select_n3A_563 = arith.select %gt3A_560, %get3A_524, %select_n3A_516 : vector<4x8x128xi1>, vector<4x8x128xf32>
      %select_n3A_564 = arith.select %gt3A_560, %get3A_530, %select_n3A_517 : vector<4x8x128xi1>, vector<4x8x128xf32>
      %select_n3A_565 = arith.select %gt3A_560, %get3A_536, %select_n3A_518 : vector<4x8x128xi1>, vector<4x8x128xf32>
      %get3A_566 = arith.constant 0 : index
      %get3A_567 = arith.constant 0 : index
      %get3A_568 = arith.constant 88 : index
      %get3A_569 = arith.constant 0 : index
      %get3A_570 = vector.load %arg0[%get3A_566, %get3A_567, %get3A_568, %get3A_569] : memref<4x3x128x128xf32, #tpu.memory_space<vmem>>, vector<4x1x8x128xf32>
      %get3A_571 = vector.shape_cast %get3A_570 : vector<4x1x8x128xf32> to vector<4x8x128xf32>
      %get3A_572 = arith.constant 0 : index
      %get3A_573 = arith.constant 1 : index
      %get3A_574 = arith.constant 88 : index
      %get3A_575 = arith.constant 0 : index
      %get3A_576 = vector.load %arg0[%get3A_572, %get3A_573, %get3A_574, %get3A_575] : memref<4x3x128x128xf32, #tpu.memory_space<vmem>>, vector<4x1x8x128xf32>
      %get3A_577 = vector.shape_cast %get3A_576 : vector<4x1x8x128xf32> to vector<4x8x128xf32>
      %get3A_578 = arith.constant 0 : index
      %get3A_579 = arith.constant 2 : index
      %get3A_580 = arith.constant 88 : index
      %get3A_581 = arith.constant 0 : index
      %get3A_582 = vector.load %arg0[%get3A_578, %get3A_579, %get3A_580, %get3A_581] : memref<4x3x128x128xf32, #tpu.memory_space<vmem>>, vector<4x1x8x128xf32>
      %get3A_583 = vector.shape_cast %get3A_582 : vector<4x1x8x128xf32> to vector<4x8x128xf32>
      %sub3A_584 = vector.broadcast %scan3A_34 : vector<4x1x1xf32> to vector<4x8x128xf32>
      %sub3A_585 = arith.subf %get3A_571, %sub3A_584 : vector<4x8x128xf32>
      %sub3A_586 = vector.broadcast %scan3A_35 : vector<4x1x1xf32> to vector<4x8x128xf32>
      %sub3A_587 = arith.subf %get3A_577, %sub3A_586 : vector<4x8x128xf32>
      %sub3A_588 = vector.broadcast %scan3A_36 : vector<4x1x1xf32> to vector<4x8x128xf32>
      %sub3A_589 = arith.subf %get3A_583, %sub3A_588 : vector<4x8x128xf32>
      %mul3A_590 = arith.mulf %sub3A_585, %sub3A_585 : vector<4x8x128xf32>
      %mul3A_591 = arith.mulf %sub3A_587, %sub3A_587 : vector<4x8x128xf32>
      %add3A_592 = arith.addf %mul3A_590, %mul3A_591 : vector<4x8x128xf32>
      %mul3A_593 = arith.mulf %sub3A_589, %sub3A_589 : vector<4x8x128xf32>
      %add3A_594 = arith.addf %add3A_592, %mul3A_593 : vector<4x8x128xf32>
      %get3A_595 = arith.constant 0 : index
      %get3A_596 = arith.constant 88 : index
      %get3A_597 = arith.constant 0 : index
      %get3A_598 = vector.load %arg2[%get3A_595, %get3A_596, %get3A_597] : memref<4x128x128xf32, #tpu.memory_space<vmem>>, vector<4x8x128xf32>
      %min3A_599 = arith.minimumf %get3A_598, %add3A_594 : vector<4x8x128xf32>
      %swap3A_600 = arith.constant 0 : index
      %swap3A_601 = arith.constant 88 : index
      %swap3A_602 = arith.constant 0 : index
      %swap3A_603 = vector.load %arg2[%swap3A_600, %swap3A_601, %swap3A_602] : memref<4x128x128xf32, #tpu.memory_space<vmem>>, vector<4x8x128xf32>
      tpu.vector_store %arg2[%swap3A_600, %swap3A_601, %swap3A_602], %min3A_599 {strides = array<i32>} : memref<4x128x128xf32, #tpu.memory_space<vmem>>, vector<4x8x128xf32>,
      %add3A_604 = arith.constant 88 : i32
      %add3A_605 = vector.broadcast %add3A_604 : i32 to vector<4x8x128xi32>
      %add3A_606 = arith.addi %add3A, %add3A_605 : vector<4x8x128xi32>
      %gt3A_607 = arith.cmpf ogt, %min3A_599, %select_n3A_561 : vector<4x8x128xf32>
      %select_n3A_608 = arith.select %gt3A_607, %min3A_599, %select_n3A_561 : vector<4x8x128xi1>, vector<4x8x128xf32>
      %select_n3A_609 = arith.select %gt3A_607, %add3A_606, %select_n3A_562 : vector<4x8x128xi1>, vector<4x8x128xi32>
      %select_n3A_610 = arith.select %gt3A_607, %get3A_571, %select_n3A_563 : vector<4x8x128xi1>, vector<4x8x128xf32>
      %select_n3A_611 = arith.select %gt3A_607, %get3A_577, %select_n3A_564 : vector<4x8x128xi1>, vector<4x8x128xf32>
      %select_n3A_612 = arith.select %gt3A_607, %get3A_583, %select_n3A_565 : vector<4x8x128xi1>, vector<4x8x128xf32>
      %get3A_613 = arith.constant 0 : index
      %get3A_614 = arith.constant 0 : index
      %get3A_615 = arith.constant 96 : index
      %get3A_616 = arith.constant 0 : index
      %get3A_617 = vector.load %arg0[%get3A_613, %get3A_614, %get3A_615, %get3A_616] : memref<4x3x128x128xf32, #tpu.memory_space<vmem>>, vector<4x1x8x128xf32>
      %get3A_618 = vector.shape_cast %get3A_617 : vector<4x1x8x128xf32> to vector<4x8x128xf32>
      %get3A_619 = arith.constant 0 : index
      %get3A_620 = arith.constant 1 : index
      %get3A_621 = arith.constant 96 : index
      %get3A_622 = arith.constant 0 : index
      %get3A_623 = vector.load %arg0[%get3A_619, %get3A_620, %get3A_621, %get3A_622] : memref<4x3x128x128xf32, #tpu.memory_space<vmem>>, vector<4x1x8x128xf32>
      %get3A_624 = vector.shape_cast %get3A_623 : vector<4x1x8x128xf32> to vector<4x8x128xf32>
      %get3A_625 = arith.constant 0 : index
      %get3A_626 = arith.constant 2 : index
      %get3A_627 = arith.constant 96 : index
      %get3A_628 = arith.constant 0 : index
      %get3A_629 = vector.load %arg0[%get3A_625, %get3A_626, %get3A_627, %get3A_628] : memref<4x3x128x128xf32, #tpu.memory_space<vmem>>, vector<4x1x8x128xf32>
      %get3A_630 = vector.shape_cast %get3A_629 : vector<4x1x8x128xf32> to vector<4x8x128xf32>
      %sub3A_631 = vector.broadcast %scan3A_34 : vector<4x1x1xf32> to vector<4x8x128xf32>
      %sub3A_632 = arith.subf %get3A_618, %sub3A_631 : vector<4x8x128xf32>
      %sub3A_633 = vector.broadcast %scan3A_35 : vector<4x1x1xf32> to vector<4x8x128xf32>
      %sub3A_634 = arith.subf %get3A_624, %sub3A_633 : vector<4x8x128xf32>
      %sub3A_635 = vector.broadcast %scan3A_36 : vector<4x1x1xf32> to vector<4x8x128xf32>
      %sub3A_636 = arith.subf %get3A_630, %sub3A_635 : vector<4x8x128xf32>
      %mul3A_637 = arith.mulf %sub3A_632, %sub3A_632 : vector<4x8x128xf32>
      %mul3A_638 = arith.mulf %sub3A_634, %sub3A_634 : vector<4x8x128xf32>
      %add3A_639 = arith.addf %mul3A_637, %mul3A_638 : vector<4x8x128xf32>
      %mul3A_640 = arith.mulf %sub3A_636, %sub3A_636 : vector<4x8x128xf32>
      %add3A_641 = arith.addf %add3A_639, %mul3A_640 : vector<4x8x128xf32>
      %get3A_642 = arith.constant 0 : index
      %get3A_643 = arith.constant 96 : index
      %get3A_644 = arith.constant 0 : index
      %get3A_645 = vector.load %arg2[%get3A_642, %get3A_643, %get3A_644] : memref<4x128x128xf32, #tpu.memory_space<vmem>>, vector<4x8x128xf32>
      %min3A_646 = arith.minimumf %get3A_645, %add3A_641 : vector<4x8x128xf32>
      %swap3A_647 = arith.constant 0 : index
      %swap3A_648 = arith.constant 96 : index
      %swap3A_649 = arith.constant 0 : index
      %swap3A_650 = vector.load %arg2[%swap3A_647, %swap3A_648, %swap3A_649] : memref<4x128x128xf32, #tpu.memory_space<vmem>>, vector<4x8x128xf32>
      tpu.vector_store %arg2[%swap3A_647, %swap3A_648, %swap3A_649], %min3A_646 {strides = array<i32>} : memref<4x128x128xf32, #tpu.memory_space<vmem>>, vector<4x8x128xf32>,
      %add3A_651 = arith.constant 96 : i32
      %add3A_652 = vector.broadcast %add3A_651 : i32 to vector<4x8x128xi32>
      %add3A_653 = arith.addi %add3A, %add3A_652 : vector<4x8x128xi32>
      %gt3A_654 = arith.cmpf ogt, %min3A_646, %select_n3A_608 : vector<4x8x128xf32>
      %select_n3A_655 = arith.select %gt3A_654, %min3A_646, %select_n3A_608 : vector<4x8x128xi1>, vector<4x8x128xf32>
      %select_n3A_656 = arith.select %gt3A_654, %add3A_653, %select_n3A_609 : vector<4x8x128xi1>, vector<4x8x128xi32>
      %select_n3A_657 = arith.select %gt3A_654, %get3A_618, %select_n3A_610 : vector<4x8x128xi1>, vector<4x8x128xf32>
      %select_n3A_658 = arith.select %gt3A_654, %get3A_624, %select_n3A_611 : vector<4x8x128xi1>, vector<4x8x128xf32>
      %select_n3A_659 = arith.select %gt3A_654, %get3A_630, %select_n3A_612 : vector<4x8x128xi1>, vector<4x8x128xf32>
      %get3A_660 = arith.constant 0 : index
      %get3A_661 = arith.constant 0 : index
      %get3A_662 = arith.constant 104 : index
      %get3A_663 = arith.constant 0 : index
      %get3A_664 = vector.load %arg0[%get3A_660, %get3A_661, %get3A_662, %get3A_663] : memref<4x3x128x128xf32, #tpu.memory_space<vmem>>, vector<4x1x8x128xf32>
      %get3A_665 = vector.shape_cast %get3A_664 : vector<4x1x8x128xf32> to vector<4x8x128xf32>
      %get3A_666 = arith.constant 0 : index
      %get3A_667 = arith.constant 1 : index
      %get3A_668 = arith.constant 104 : index
      %get3A_669 = arith.constant 0 : index
      %get3A_670 = vector.load %arg0[%get3A_666, %get3A_667, %get3A_668, %get3A_669] : memref<4x3x128x128xf32, #tpu.memory_space<vmem>>, vector<4x1x8x128xf32>
      %get3A_671 = vector.shape_cast %get3A_670 : vector<4x1x8x128xf32> to vector<4x8x128xf32>
      %get3A_672 = arith.constant 0 : index
      %get3A_673 = arith.constant 2 : index
      %get3A_674 = arith.constant 104 : index
      %get3A_675 = arith.constant 0 : index
      %get3A_676 = vector.load %arg0[%get3A_672, %get3A_673, %get3A_674, %get3A_675] : memref<4x3x128x128xf32, #tpu.memory_space<vmem>>, vector<4x1x8x128xf32>
      %get3A_677 = vector.shape_cast %get3A_676 : vector<4x1x8x128xf32> to vector<4x8x128xf32>
      %sub3A_678 = vector.broadcast %scan3A_34 : vector<4x1x1xf32> to vector<4x8x128xf32>
      %sub3A_679 = arith.subf %get3A_665, %sub3A_678 : vector<4x8x128xf32>
      %sub3A_680 = vector.broadcast %scan3A_35 : vector<4x1x1xf32> to vector<4x8x128xf32>
      %sub3A_681 = arith.subf %get3A_671, %sub3A_680 : vector<4x8x128xf32>
      %sub3A_682 = vector.broadcast %scan3A_36 : vector<4x1x1xf32> to vector<4x8x128xf32>
      %sub3A_683 = arith.subf %get3A_677, %sub3A_682 : vector<4x8x128xf32>
      %mul3A_684 = arith.mulf %sub3A_679, %sub3A_679 : vector<4x8x128xf32>
      %mul3A_685 = arith.mulf %sub3A_681, %sub3A_681 : vector<4x8x128xf32>
      %add3A_686 = arith.addf %mul3A_684, %mul3A_685 : vector<4x8x128xf32>
      %mul3A_687 = arith.mulf %sub3A_683, %sub3A_683 : vector<4x8x128xf32>
      %add3A_688 = arith.addf %add3A_686, %mul3A_687 : vector<4x8x128xf32>
      %get3A_689 = arith.constant 0 : index
      %get3A_690 = arith.constant 104 : index
      %get3A_691 = arith.constant 0 : index
      %get3A_692 = vector.load %arg2[%get3A_689, %get3A_690, %get3A_691] : memref<4x128x128xf32, #tpu.memory_space<vmem>>, vector<4x8x128xf32>
      %min3A_693 = arith.minimumf %get3A_692, %add3A_688 : vector<4x8x128xf32>
      %swap3A_694 = arith.constant 0 : index
      %swap3A_695 = arith.constant 104 : index
      %swap3A_696 = arith.constant 0 : index
      %swap3A_697 = vector.load %arg2[%swap3A_694, %swap3A_695, %swap3A_696] : memref<4x128x128xf32, #tpu.memory_space<vmem>>, vector<4x8x128xf32>
      tpu.vector_store %arg2[%swap3A_694, %swap3A_695, %swap3A_696], %min3A_693 {strides = array<i32>} : memref<4x128x128xf32, #tpu.memory_space<vmem>>, vector<4x8x128xf32>,
      %add3A_698 = arith.constant 104 : i32
      %add3A_699 = vector.broadcast %add3A_698 : i32 to vector<4x8x128xi32>
      %add3A_700 = arith.addi %add3A, %add3A_699 : vector<4x8x128xi32>
      %gt3A_701 = arith.cmpf ogt, %min3A_693, %select_n3A_655 : vector<4x8x128xf32>
      %select_n3A_702 = arith.select %gt3A_701, %min3A_693, %select_n3A_655 : vector<4x8x128xi1>, vector<4x8x128xf32>
      %select_n3A_703 = arith.select %gt3A_701, %add3A_700, %select_n3A_656 : vector<4x8x128xi1>, vector<4x8x128xi32>
      %select_n3A_704 = arith.select %gt3A_701, %get3A_665, %select_n3A_657 : vector<4x8x128xi1>, vector<4x8x128xf32>
      %select_n3A_705 = arith.select %gt3A_701, %get3A_671, %select_n3A_658 : vector<4x8x128xi1>, vector<4x8x128xf32>
      %select_n3A_706 = arith.select %gt3A_701, %get3A_677, %select_n3A_659 : vector<4x8x128xi1>, vector<4x8x128xf32>
      %get3A_707 = arith.constant 0 : index
      %get3A_708 = arith.constant 0 : index
      %get3A_709 = arith.constant 112 : index
      %get3A_710 = arith.constant 0 : index
      %get3A_711 = vector.load %arg0[%get3A_707, %get3A_708, %get3A_709, %get3A_710] : memref<4x3x128x128xf32, #tpu.memory_space<vmem>>, vector<4x1x8x128xf32>
      %get3A_712 = vector.shape_cast %get3A_711 : vector<4x1x8x128xf32> to vector<4x8x128xf32>
      %get3A_713 = arith.constant 0 : index
      %get3A_714 = arith.constant 1 : index
      %get3A_715 = arith.constant 112 : index
      %get3A_716 = arith.constant 0 : index
      %get3A_717 = vector.load %arg0[%get3A_713, %get3A_714, %get3A_715, %get3A_716] : memref<4x3x128x128xf32, #tpu.memory_space<vmem>>, vector<4x1x8x128xf32>
      %get3A_718 = vector.shape_cast %get3A_717 : vector<4x1x8x128xf32> to vector<4x8x128xf32>
      %get3A_719 = arith.constant 0 : index
      %get3A_720 = arith.constant 2 : index
      %get3A_721 = arith.constant 112 : index
      %get3A_722 = arith.constant 0 : index
      %get3A_723 = vector.load %arg0[%get3A_719, %get3A_720, %get3A_721, %get3A_722] : memref<4x3x128x128xf32, #tpu.memory_space<vmem>>, vector<4x1x8x128xf32>
      %get3A_724 = vector.shape_cast %get3A_723 : vector<4x1x8x128xf32> to vector<4x8x128xf32>
      %sub3A_725 = vector.broadcast %scan3A_34 : vector<4x1x1xf32> to vector<4x8x128xf32>
      %sub3A_726 = arith.subf %get3A_712, %sub3A_725 : vector<4x8x128xf32>
      %sub3A_727 = vector.broadcast %scan3A_35 : vector<4x1x1xf32> to vector<4x8x128xf32>
      %sub3A_728 = arith.subf %get3A_718, %sub3A_727 : vector<4x8x128xf32>
      %sub3A_729 = vector.broadcast %scan3A_36 : vector<4x1x1xf32> to vector<4x8x128xf32>
      %sub3A_730 = arith.subf %get3A_724, %sub3A_729 : vector<4x8x128xf32>
      %mul3A_731 = arith.mulf %sub3A_726, %sub3A_726 : vector<4x8x128xf32>
      %mul3A_732 = arith.mulf %sub3A_728, %sub3A_728 : vector<4x8x128xf32>
      %add3A_733 = arith.addf %mul3A_731, %mul3A_732 : vector<4x8x128xf32>
      %mul3A_734 = arith.mulf %sub3A_730, %sub3A_730 : vector<4x8x128xf32>
      %add3A_735 = arith.addf %add3A_733, %mul3A_734 : vector<4x8x128xf32>
      %get3A_736 = arith.constant 0 : index
      %get3A_737 = arith.constant 112 : index
      %get3A_738 = arith.constant 0 : index
      %get3A_739 = vector.load %arg2[%get3A_736, %get3A_737, %get3A_738] : memref<4x128x128xf32, #tpu.memory_space<vmem>>, vector<4x8x128xf32>
      %min3A_740 = arith.minimumf %get3A_739, %add3A_735 : vector<4x8x128xf32>
      %swap3A_741 = arith.constant 0 : index
      %swap3A_742 = arith.constant 112 : index
      %swap3A_743 = arith.constant 0 : index
      %swap3A_744 = vector.load %arg2[%swap3A_741, %swap3A_742, %swap3A_743] : memref<4x128x128xf32, #tpu.memory_space<vmem>>, vector<4x8x128xf32>
      tpu.vector_store %arg2[%swap3A_741, %swap3A_742, %swap3A_743], %min3A_740 {strides = array<i32>} : memref<4x128x128xf32, #tpu.memory_space<vmem>>, vector<4x8x128xf32>,
      %add3A_745 = arith.constant 112 : i32
      %add3A_746 = vector.broadcast %add3A_745 : i32 to vector<4x8x128xi32>
      %add3A_747 = arith.addi %add3A, %add3A_746 : vector<4x8x128xi32>
      %gt3A_748 = arith.cmpf ogt, %min3A_740, %select_n3A_702 : vector<4x8x128xf32>
      %select_n3A_749 = arith.select %gt3A_748, %min3A_740, %select_n3A_702 : vector<4x8x128xi1>, vector<4x8x128xf32>
      %select_n3A_750 = arith.select %gt3A_748, %add3A_747, %select_n3A_703 : vector<4x8x128xi1>, vector<4x8x128xi32>
      %select_n3A_751 = arith.select %gt3A_748, %get3A_712, %select_n3A_704 : vector<4x8x128xi1>, vector<4x8x128xf32>
      %select_n3A_752 = arith.select %gt3A_748, %get3A_718, %select_n3A_705 : vector<4x8x128xi1>, vector<4x8x128xf32>
      %select_n3A_753 = arith.select %gt3A_748, %get3A_724, %select_n3A_706 : vector<4x8x128xi1>, vector<4x8x128xf32>
      %get3A_754 = arith.constant 0 : index
      %get3A_755 = arith.constant 0 : index
      %get3A_756 = arith.constant 120 : index
      %get3A_757 = arith.constant 0 : index
      %get3A_758 = vector.load %arg0[%get3A_754, %get3A_755, %get3A_756, %get3A_757] : memref<4x3x128x128xf32, #tpu.memory_space<vmem>>, vector<4x1x8x128xf32>
      %get3A_759 = vector.shape_cast %get3A_758 : vector<4x1x8x128xf32> to vector<4x8x128xf32>
      %get3A_760 = arith.constant 0 : index
      %get3A_761 = arith.constant 1 : index
      %get3A_762 = arith.constant 120 : index
      %get3A_763 = arith.constant 0 : index
      %get3A_764 = vector.load %arg0[%get3A_760, %get3A_761, %get3A_762, %get3A_763] : memref<4x3x128x128xf32, #tpu.memory_space<vmem>>, vector<4x1x8x128xf32>
      %get3A_765 = vector.shape_cast %get3A_764 : vector<4x1x8x128xf32> to vector<4x8x128xf32>
      %get3A_766 = arith.constant 0 : index
      %get3A_767 = arith.constant 2 : index
      %get3A_768 = arith.constant 120 : index
      %get3A_769 = arith.constant 0 : index
      %get3A_770 = vector.load %arg0[%get3A_766, %get3A_767, %get3A_768, %get3A_769] : memref<4x3x128x128xf32, #tpu.memory_space<vmem>>, vector<4x1x8x128xf32>
      %get3A_771 = vector.shape_cast %get3A_770 : vector<4x1x8x128xf32> to vector<4x8x128xf32>
      %sub3A_772 = vector.broadcast %scan3A_34 : vector<4x1x1xf32> to vector<4x8x128xf32>
      %sub3A_773 = arith.subf %get3A_759, %sub3A_772 : vector<4x8x128xf32>
      %sub3A_774 = vector.broadcast %scan3A_35 : vector<4x1x1xf32> to vector<4x8x128xf32>
      %sub3A_775 = arith.subf %get3A_765, %sub3A_774 : vector<4x8x128xf32>
      %sub3A_776 = vector.broadcast %scan3A_36 : vector<4x1x1xf32> to vector<4x8x128xf32>
      %sub3A_777 = arith.subf %get3A_771, %sub3A_776 : vector<4x8x128xf32>
      %mul3A_778 = arith.mulf %sub3A_773, %sub3A_773 : vector<4x8x128xf32>
      %mul3A_779 = arith.mulf %sub3A_775, %sub3A_775 : vector<4x8x128xf32>
      %add3A_780 = arith.addf %mul3A_778, %mul3A_779 : vector<4x8x128xf32>
      %mul3A_781 = arith.mulf %sub3A_777, %sub3A_777 : vector<4x8x128xf32>
      %add3A_782 = arith.addf %add3A_780, %mul3A_781 : vector<4x8x128xf32>
      %get3A_783 = arith.constant 0 : index
      %get3A_784 = arith.constant 120 : index
      %get3A_785 = arith.constant 0 : index
      %get3A_786 = vector.load %arg2[%get3A_783, %get3A_784, %get3A_785] : memref<4x128x128xf32, #tpu.memory_space<vmem>>, vector<4x8x128xf32>
      %min3A_787 = arith.minimumf %get3A_786, %add3A_782 : vector<4x8x128xf32>
      %swap3A_788 = arith.constant 0 : index
      %swap3A_789 = arith.constant 120 : index
      %swap3A_790 = arith.constant 0 : index
      %swap3A_791 = vector.load %arg2[%swap3A_788, %swap3A_789, %swap3A_790] : memref<4x128x128xf32, #tpu.memory_space<vmem>>, vector<4x8x128xf32>
      tpu.vector_store %arg2[%swap3A_788, %swap3A_789, %swap3A_790], %min3A_787 {strides = array<i32>} : memref<4x128x128xf32, #tpu.memory_space<vmem>>, vector<4x8x128xf32>,
      %add3A_792 = arith.constant 120 : i32
      %add3A_793 = vector.broadcast %add3A_792 : i32 to vector<4x8x128xi32>
      %add3A_794 = arith.addi %add3A, %add3A_793 : vector<4x8x128xi32>
      %gt3A_795 = arith.cmpf ogt, %min3A_787, %select_n3A_749 : vector<4x8x128xf32>
      %select_n3A_796 = arith.select %gt3A_795, %min3A_787, %select_n3A_749 : vector<4x8x128xi1>, vector<4x8x128xf32>
      %select_n3A_797 = arith.select %gt3A_795, %add3A_794, %select_n3A_750 : vector<4x8x128xi1>, vector<4x8x128xi32>
      %select_n3A_798 = arith.select %gt3A_795, %get3A_759, %select_n3A_751 : vector<4x8x128xi1>, vector<4x8x128xf32>
      %select_n3A_799 = arith.select %gt3A_795, %get3A_765, %select_n3A_752 : vector<4x8x128xi1>, vector<4x8x128xf32>
      %select_n3A_800 = arith.select %gt3A_795, %get3A_771, %select_n3A_753 : vector<4x8x128xi1>, vector<4x8x128xf32>
      %roll3A = arith.constant 4 : i32
      %roll3A_801 = tpu.dynamic_rotate %select_n3A_796 by %roll3A dim 1 : vector<4x8x128xf32>, i32 -> vector<4x8x128xf32>
      %roll3A_802 = arith.constant 4 : i32
      %roll3A_803 = tpu.dynamic_rotate %select_n3A_797 by %roll3A_802 dim 1 : vector<4x8x128xi32>, i32 -> vector<4x8x128xi32>
      %roll3A_804 = arith.constant 4 : i32
      %roll3A_805 = tpu.dynamic_rotate %select_n3A_798 by %roll3A_804 dim 1 : vector<4x8x128xf32>, i32 -> vector<4x8x128xf32>
      %roll3A_806 = arith.constant 4 : i32
      %roll3A_807 = tpu.dynamic_rotate %select_n3A_799 by %roll3A_806 dim 1 : vector<4x8x128xf32>, i32 -> vector<4x8x128xf32>
      %roll3A_808 = arith.constant 4 : i32
      %roll3A_809 = tpu.dynamic_rotate %select_n3A_800 by %roll3A_808 dim 1 : vector<4x8x128xf32>, i32 -> vector<4x8x128xf32>
      %gt3A_810 = arith.cmpf ogt, %roll3A_801, %select_n3A_796 : vector<4x8x128xf32>
      %eq3A = arith.cmpf oeq, %roll3A_801, %select_n3A_796 : vector<4x8x128xf32>
      %lt3A = arith.cmpi slt, %roll3A_803, %select_n3A_797 : vector<4x8x128xi32>
      %and3A_811 = arith.andi %eq3A, %lt3A : vector<4x8x128xi1>
      %or3A = arith.ori %gt3A_810, %and3A_811 : vector<4x8x128xi1>
      %select_n3A_812 = arith.select %or3A, %roll3A_801, %select_n3A_796 : vector<4x8x128xi1>, vector<4x8x128xf32>
      %select_n3A_813 = arith.select %or3A, %roll3A_803, %select_n3A_797 : vector<4x8x128xi1>, vector<4x8x128xi32>
      %select_n3A_814 = arith.select %or3A, %roll3A_805, %select_n3A_798 : vector<4x8x128xi1>, vector<4x8x128xf32>
      %select_n3A_815 = arith.select %or3A, %roll3A_807, %select_n3A_799 : vector<4x8x128xi1>, vector<4x8x128xf32>
      %select_n3A_816 = arith.select %or3A, %roll3A_809, %select_n3A_800 : vector<4x8x128xi1>, vector<4x8x128xf32>
      %roll3A_817 = arith.constant 2 : i32
      %roll3A_818 = tpu.dynamic_rotate %select_n3A_812 by %roll3A_817 dim 1 : vector<4x8x128xf32>, i32 -> vector<4x8x128xf32>
      %roll3A_819 = arith.constant 2 : i32
      %roll3A_820 = tpu.dynamic_rotate %select_n3A_813 by %roll3A_819 dim 1 : vector<4x8x128xi32>, i32 -> vector<4x8x128xi32>
      %roll3A_821 = arith.constant 2 : i32
      %roll3A_822 = tpu.dynamic_rotate %select_n3A_814 by %roll3A_821 dim 1 : vector<4x8x128xf32>, i32 -> vector<4x8x128xf32>
      %roll3A_823 = arith.constant 2 : i32
      %roll3A_824 = tpu.dynamic_rotate %select_n3A_815 by %roll3A_823 dim 1 : vector<4x8x128xf32>, i32 -> vector<4x8x128xf32>
      %roll3A_825 = arith.constant 2 : i32
      %roll3A_826 = tpu.dynamic_rotate %select_n3A_816 by %roll3A_825 dim 1 : vector<4x8x128xf32>, i32 -> vector<4x8x128xf32>
      %gt3A_827 = arith.cmpf ogt, %roll3A_818, %select_n3A_812 : vector<4x8x128xf32>
      %eq3A_828 = arith.cmpf oeq, %roll3A_818, %select_n3A_812 : vector<4x8x128xf32>
      %lt3A_829 = arith.cmpi slt, %roll3A_820, %select_n3A_813 : vector<4x8x128xi32>
      %and3A_830 = arith.andi %eq3A_828, %lt3A_829 : vector<4x8x128xi1>
      %or3A_831 = arith.ori %gt3A_827, %and3A_830 : vector<4x8x128xi1>
      %select_n3A_832 = arith.select %or3A_831, %roll3A_818, %select_n3A_812 : vector<4x8x128xi1>, vector<4x8x128xf32>
      %select_n3A_833 = arith.select %or3A_831, %roll3A_820, %select_n3A_813 : vector<4x8x128xi1>, vector<4x8x128xi32>
      %select_n3A_834 = arith.select %or3A_831, %roll3A_822, %select_n3A_814 : vector<4x8x128xi1>, vector<4x8x128xf32>
      %select_n3A_835 = arith.select %or3A_831, %roll3A_824, %select_n3A_815 : vector<4x8x128xi1>, vector<4x8x128xf32>
      %select_n3A_836 = arith.select %or3A_831, %roll3A_826, %select_n3A_816 : vector<4x8x128xi1>, vector<4x8x128xf32>
      %roll3A_837 = arith.constant 1 : i32
      %roll3A_838 = tpu.dynamic_rotate %select_n3A_832 by %roll3A_837 dim 1 : vector<4x8x128xf32>, i32 -> vector<4x8x128xf32>
      %roll3A_839 = arith.constant 1 : i32
      %roll3A_840 = tpu.dynamic_rotate %select_n3A_833 by %roll3A_839 dim 1 : vector<4x8x128xi32>, i32 -> vector<4x8x128xi32>
      %roll3A_841 = arith.constant 1 : i32
      %roll3A_842 = tpu.dynamic_rotate %select_n3A_834 by %roll3A_841 dim 1 : vector<4x8x128xf32>, i32 -> vector<4x8x128xf32>
      %roll3A_843 = arith.constant 1 : i32
      %roll3A_844 = tpu.dynamic_rotate %select_n3A_835 by %roll3A_843 dim 1 : vector<4x8x128xf32>, i32 -> vector<4x8x128xf32>
      %roll3A_845 = arith.constant 1 : i32
      %roll3A_846 = tpu.dynamic_rotate %select_n3A_836 by %roll3A_845 dim 1 : vector<4x8x128xf32>, i32 -> vector<4x8x128xf32>
      %gt3A_847 = arith.cmpf ogt, %roll3A_838, %select_n3A_832 : vector<4x8x128xf32>
      %eq3A_848 = arith.cmpf oeq, %roll3A_838, %select_n3A_832 : vector<4x8x128xf32>
      %lt3A_849 = arith.cmpi slt, %roll3A_840, %select_n3A_833 : vector<4x8x128xi32>
      %and3A_850 = arith.andi %eq3A_848, %lt3A_849 : vector<4x8x128xi1>
      %or3A_851 = arith.ori %gt3A_847, %and3A_850 : vector<4x8x128xi1>
      %select_n3A_852 = arith.select %or3A_851, %roll3A_838, %select_n3A_832 : vector<4x8x128xi1>, vector<4x8x128xf32>
      %select_n3A_853 = arith.select %or3A_851, %roll3A_840, %select_n3A_833 : vector<4x8x128xi1>, vector<4x8x128xi32>
      %select_n3A_854 = arith.select %or3A_851, %roll3A_842, %select_n3A_834 : vector<4x8x128xi1>, vector<4x8x128xf32>
      %select_n3A_855 = arith.select %or3A_851, %roll3A_844, %select_n3A_835 : vector<4x8x128xi1>, vector<4x8x128xf32>
      %select_n3A_856 = arith.select %or3A_851, %roll3A_846, %select_n3A_836 : vector<4x8x128xi1>, vector<4x8x128xf32>
      %slice3A = vector.extract_strided_slice %select_n3A_852 {offsets = [0, 0, 0], sizes = [4, 1, 128], strides = [1, 1, 1]} : vector<4x8x128xf32> to vector<4x1x128xf32>
      %slice3A_857 = vector.extract_strided_slice %select_n3A_853 {offsets = [0, 0, 0], sizes = [4, 1, 128], strides = [1, 1, 1]} : vector<4x8x128xi32> to vector<4x1x128xi32>
      %slice3A_858 = vector.extract_strided_slice %select_n3A_854 {offsets = [0, 0, 0], sizes = [4, 1, 128], strides = [1, 1, 1]} : vector<4x8x128xf32> to vector<4x1x128xf32>
      %slice3A_859 = vector.extract_strided_slice %select_n3A_855 {offsets = [0, 0, 0], sizes = [4, 1, 128], strides = [1, 1, 1]} : vector<4x8x128xf32> to vector<4x1x128xf32>
      %slice3A_860 = vector.extract_strided_slice %select_n3A_856 {offsets = [0, 0, 0], sizes = [4, 1, 128], strides = [1, 1, 1]} : vector<4x8x128xf32> to vector<4x1x128xf32>
      %reduce_max3A = arith.constant dense<0xFF800000> : vector<4x1xf32>
      %reduce_max3A_861 = vector.multi_reduction <maximumf>, %slice3A, %reduce_max3A [2] : vector<4x1x128xf32> to vector<4x1xf32>
      %broadcast_in_dim3A_862 = vector.shape_cast %reduce_max3A_861 : vector<4x1xf32> to vector<4x1x1xf32>
      %eq3A_863 = vector.broadcast %broadcast_in_dim3A_862 : vector<4x1x1xf32> to vector<4x1x128xf32>
      %eq3A_864 = arith.cmpf oeq, %slice3A, %eq3A_863 : vector<4x1x128xf32>
      %broadcast_in_dim3A_865 = vector.broadcast %scan3A : i32 to vector<4x1x128xi32>
      %select_n3A_866 = arith.select %eq3A_864, %slice3A_857, %broadcast_in_dim3A_865 : vector<4x1x128xi1>, vector<4x1x128xi32>
      %shift_left3A = arith.constant 16 : i32
      %shift_left3A_867 = vector.broadcast %shift_left3A : i32 to vector<4x1x128xi32>
      %shift_left3A_868 = arith.shli %slice3A_857, %shift_left3A_867 : vector<4x1x128xi32>
      %bitcast_convert_type3A = tpu.bitcast %slice3A_858 : vector<4x1x128xf32> -> vector<4x1x128xi32>
      %shift_right_arithmetic3A = arith.constant 16 : i32
      %shift_right_arithmetic3A_869 = vector.broadcast %shift_right_arithmetic3A : i32 to vector<4x1x128xi32>
      %shift_right_arithmetic3A_870 = arith.shrsi %bitcast_convert_type3A, %shift_right_arithmetic3A_869 : vector<4x1x128xi32>
      %or3A_871 = arith.ori %shift_left3A_868, %shift_right_arithmetic3A_870 : vector<4x1x128xi32>
      %broadcast_in_dim3A_872 = vector.broadcast %scan3A : i32 to vector<4x1x128xi32>
      %select_n3A_873 = arith.select %eq3A_864, %or3A_871, %broadcast_in_dim3A_872 : vector<4x1x128xi1>, vector<4x1x128xi32>
      %and3A_874 = arith.constant 65535 : i32
      %and3A_875 = vector.broadcast %and3A_874 : i32 to vector<4x1x128xi32>
      %and3A_876 = arith.andi %bitcast_convert_type3A, %and3A_875 : vector<4x1x128xi32>
      %or3A_877 = arith.ori %shift_left3A_868, %and3A_876 : vector<4x1x128xi32>
      %broadcast_in_dim3A_878 = vector.broadcast %scan3A : i32 to vector<4x1x128xi32>
      %select_n3A_879 = arith.select %eq3A_864, %or3A_877, %broadcast_in_dim3A_878 : vector<4x1x128xi1>, vector<4x1x128xi32>
      %bitcast_convert_type3A_880 = tpu.bitcast %slice3A_859 : vector<4x1x128xf32> -> vector<4x1x128xi32>
      %shift_right_arithmetic3A_881 = arith.constant 16 : i32
      %shift_right_arithmetic3A_882 = vector.broadcast %shift_right_arithmetic3A_881 : i32 to vector<4x1x128xi32>
      %shift_right_arithmetic3A_883 = arith.shrsi %bitcast_convert_type3A_880, %shift_right_arithmetic3A_882 : vector<4x1x128xi32>
      %or3A_884 = arith.ori %shift_left3A_868, %shift_right_arithmetic3A_883 : vector<4x1x128xi32>
      %broadcast_in_dim3A_885 = vector.broadcast %scan3A : i32 to vector<4x1x128xi32>
      %select_n3A_886 = arith.select %eq3A_864, %or3A_884, %broadcast_in_dim3A_885 : vector<4x1x128xi1>, vector<4x1x128xi32>
      %and3A_887 = arith.constant 65535 : i32
      %and3A_888 = vector.broadcast %and3A_887 : i32 to vector<4x1x128xi32>
      %and3A_889 = arith.andi %bitcast_convert_type3A_880, %and3A_888 : vector<4x1x128xi32>
      %or3A_890 = arith.ori %shift_left3A_868, %and3A_889 : vector<4x1x128xi32>
      %broadcast_in_dim3A_891 = vector.broadcast %scan3A : i32 to vector<4x1x128xi32>
      %select_n3A_892 = arith.select %eq3A_864, %or3A_890, %broadcast_in_dim3A_891 : vector<4x1x128xi1>, vector<4x1x128xi32>
      %bitcast_convert_type3A_893 = tpu.bitcast %slice3A_860 : vector<4x1x128xf32> -> vector<4x1x128xi32>
      %shift_right_arithmetic3A_894 = arith.constant 16 : i32
      %shift_right_arithmetic3A_895 = vector.broadcast %shift_right_arithmetic3A_894 : i32 to vector<4x1x128xi32>
      %shift_right_arithmetic3A_896 = arith.shrsi %bitcast_convert_type3A_893, %shift_right_arithmetic3A_895 : vector<4x1x128xi32>
      %or3A_897 = arith.ori %shift_left3A_868, %shift_right_arithmetic3A_896 : vector<4x1x128xi32>
      %broadcast_in_dim3A_898 = vector.broadcast %scan3A : i32 to vector<4x1x128xi32>
      %select_n3A_899 = arith.select %eq3A_864, %or3A_897, %broadcast_in_dim3A_898 : vector<4x1x128xi1>, vector<4x1x128xi32>
      %and3A_900 = arith.constant 65535 : i32
      %and3A_901 = vector.broadcast %and3A_900 : i32 to vector<4x1x128xi32>
      %and3A_902 = arith.andi %bitcast_convert_type3A_893, %and3A_901 : vector<4x1x128xi32>
      %or3A_903 = arith.ori %shift_left3A_868, %and3A_902 : vector<4x1x128xi32>
      %broadcast_in_dim3A_904 = vector.broadcast %scan3A : i32 to vector<4x1x128xi32>
      %select_n3A_905 = arith.select %eq3A_864, %or3A_903, %broadcast_in_dim3A_904 : vector<4x1x128xi1>, vector<4x1x128xi32>
      %reduce_min3A = arith.constant dense<2147483647> : vector<4x1xi32>
      %reduce_min3A_906 = vector.multi_reduction <minsi>, %select_n3A_866, %reduce_min3A [2] : vector<4x1x128xi32> to vector<4x1xi32>
      %broadcast_in_dim3A_907 = vector.shape_cast %reduce_min3A_906 : vector<4x1xi32> to vector<4x1x1xi32>
      %reduce_min3A_908 = arith.constant dense<2147483647> : vector<4x1xi32>
      %reduce_min3A_909 = vector.multi_reduction <minsi>, %select_n3A_873, %reduce_min3A_908 [2] : vector<4x1x128xi32> to vector<4x1xi32>
      %broadcast_in_dim3A_910 = vector.shape_cast %reduce_min3A_909 : vector<4x1xi32> to vector<4x1x1xi32>
      %reduce_min3A_911 = arith.constant dense<2147483647> : vector<4x1xi32>
      %reduce_min3A_912 = vector.multi_reduction <minsi>, %select_n3A_879, %reduce_min3A_911 [2] : vector<4x1x128xi32> to vector<4x1xi32>
      %broadcast_in_dim3A_913 = vector.shape_cast %reduce_min3A_912 : vector<4x1xi32> to vector<4x1x1xi32>
      %and3A_914 = arith.constant 65535 : i32
      %and3A_915 = vector.broadcast %and3A_914 : i32 to vector<4x1x1xi32>
      %and3A_916 = arith.andi %broadcast_in_dim3A_910, %and3A_915 : vector<4x1x1xi32>
      %shift_left3A_917 = arith.constant 16 : i32
      %shift_left3A_918 = vector.broadcast %shift_left3A_917 : i32 to vector<4x1x1xi32>
      %shift_left3A_919 = arith.shli %and3A_916, %shift_left3A_918 : vector<4x1x1xi32>
      %and3A_920 = arith.constant 65535 : i32
      %and3A_921 = vector.broadcast %and3A_920 : i32 to vector<4x1x1xi32>
      %and3A_922 = arith.andi %broadcast_in_dim3A_913, %and3A_921 : vector<4x1x1xi32>
      %or3A_923 = arith.ori %shift_left3A_919, %and3A_922 : vector<4x1x1xi32>
      %bitcast_convert_type3A_924 = tpu.bitcast %or3A_923 : vector<4x1x1xi32> -> vector<4x1x1xf32>
      %reduce_min3A_925 = arith.constant dense<2147483647> : vector<4x1xi32>
      %reduce_min3A_926 = vector.multi_reduction <minsi>, %select_n3A_886, %reduce_min3A_925 [2] : vector<4x1x128xi32> to vector<4x1xi32>
      %broadcast_in_dim3A_927 = vector.shape_cast %reduce_min3A_926 : vector<4x1xi32> to vector<4x1x1xi32>
      %reduce_min3A_928 = arith.constant dense<2147483647> : vector<4x1xi32>
      %reduce_min3A_929 = vector.multi_reduction <minsi>, %select_n3A_892, %reduce_min3A_928 [2] : vector<4x1x128xi32> to vector<4x1xi32>
      %broadcast_in_dim3A_930 = vector.shape_cast %reduce_min3A_929 : vector<4x1xi32> to vector<4x1x1xi32>
      %and3A_931 = arith.constant 65535 : i32
      %and3A_932 = vector.broadcast %and3A_931 : i32 to vector<4x1x1xi32>
      %and3A_933 = arith.andi %broadcast_in_dim3A_927, %and3A_932 : vector<4x1x1xi32>
      %shift_left3A_934 = arith.constant 16 : i32
      %shift_left3A_935 = vector.broadcast %shift_left3A_934 : i32 to vector<4x1x1xi32>
      %shift_left3A_936 = arith.shli %and3A_933, %shift_left3A_935 : vector<4x1x1xi32>
      %and3A_937 = arith.constant 65535 : i32
      %and3A_938 = vector.broadcast %and3A_937 : i32 to vector<4x1x1xi32>
      %and3A_939 = arith.andi %broadcast_in_dim3A_930, %and3A_938 : vector<4x1x1xi32>
      %or3A_940 = arith.ori %shift_left3A_936, %and3A_939 : vector<4x1x1xi32>
      %bitcast_convert_type3A_941 = tpu.bitcast %or3A_940 : vector<4x1x1xi32> -> vector<4x1x1xf32>
      %reduce_min3A_942 = arith.constant dense<2147483647> : vector<4x1xi32>
      %reduce_min3A_943 = vector.multi_reduction <minsi>, %select_n3A_899, %reduce_min3A_942 [2] : vector<4x1x128xi32> to vector<4x1xi32>
      %broadcast_in_dim3A_944 = vector.shape_cast %reduce_min3A_943 : vector<4x1xi32> to vector<4x1x1xi32>
      %reduce_min3A_945 = arith.constant dense<2147483647> : vector<4x1xi32>
      %reduce_min3A_946 = vector.multi_reduction <minsi>, %select_n3A_905, %reduce_min3A_945 [2] : vector<4x1x128xi32> to vector<4x1xi32>
      %broadcast_in_dim3A_947 = vector.shape_cast %reduce_min3A_946 : vector<4x1xi32> to vector<4x1x1xi32>
      %and3A_948 = arith.constant 65535 : i32
      %and3A_949 = vector.broadcast %and3A_948 : i32 to vector<4x1x1xi32>
      %and3A_950 = arith.andi %broadcast_in_dim3A_944, %and3A_949 : vector<4x1x1xi32>
      %shift_left3A_951 = arith.constant 16 : i32
      %shift_left3A_952 = vector.broadcast %shift_left3A_951 : i32 to vector<4x1x1xi32>
      %shift_left3A_953 = arith.shli %and3A_950, %shift_left3A_952 : vector<4x1x1xi32>
      %and3A_954 = arith.constant 65535 : i32
      %and3A_955 = vector.broadcast %and3A_954 : i32 to vector<4x1x1xi32>
      %and3A_956 = arith.andi %broadcast_in_dim3A_947, %and3A_955 : vector<4x1x1xi32>
      %or3A_957 = arith.ori %shift_left3A_953, %and3A_956 : vector<4x1x1xi32>
      %bitcast_convert_type3A_958 = tpu.bitcast %or3A_957 : vector<4x1x1xi32> -> vector<4x1x1xf32>
      %eq3A_959 = vector.broadcast %sub3A_56 : i32 to vector<4x1x128xi32>
      %eq3A_960 = arith.cmpi eq, %iota3A, %eq3A_959 : vector<4x1x128xi32>
      %broadcast_in_dim3A_961 = vector.shape_cast %broadcast_in_dim3A_907 : vector<4x1x1xi32> to vector<4x1x1xi32>
      %broadcast_in_dim3A_962 = vector.broadcast %broadcast_in_dim3A_961 : vector<4x1x1xi32> to vector<4x1x128xi32>
      %select_n3A_963 = arith.select %eq3A_960, %broadcast_in_dim3A_962, %scan3A_37 : vector<4x1x128xi1>, vector<4x1x128xi32>
      %swap3A_964 = arith.constant 0 : index
      %swap3A_965 = arith.index_cast %select_n3A : i32 to index
      %swap3A_966 = arith.constant 0 : index
      %swap3A_967 = vector.load %arg1[%swap3A_964, %swap3A_965, %swap3A_966] : memref<4x32x128xi32, #tpu.memory_space<vmem>>, vector<4x1x128xi32>
      tpu.vector_store %arg1[%swap3A_964, %swap3A_965, %swap3A_966], %select_n3A_963 {strides = array<i32>} : memref<4x32x128xi32, #tpu.memory_space<vmem>>, vector<4x1x128xi32>,
      scf.yield %bitcast_convert_type3A_924, %bitcast_convert_type3A_941, %bitcast_convert_type3A_958, %select_n3A_963 : vector<4x1x1xf32>, vector<4x1x1xf32>, vector<4x1x1xf32>, vector<4x1x128xi32>
    }
    %scan3A_32 = arith.constant 4095 : i32
    return
  }
}

</mosaic_0001>

<sc_bundles>
// kernel: kernel.4.cloned.1.call-start
scs
__scs_entry_jumppad:
0x0: {  	(pc) =	sbr.rel $0x88, $3  }
0x1: {  	(tag) =	ssettag $0x0;
	lr =	simm.s32 $0x1  }
0x2: {  	[smem:$0x3F9F] =	sst lr;
	_ =	strace $0xD0000000  }
0x3: {  	_ = 	snop  }
0x4: {  	_ = 	snop  }
0x5: {  	_ = 	snop  }
0x6: {  	_ = 	snop  }
0x7: {  	_ = 	snop  }
__scs_overlays_trampoline_lowered:
0x8: {  	[smem:$0x3FAE] =	sst s0  }
0x9: {  	[smem:$0x3FAF] =	sst s1  }
0xa: {  	[smem:$0x3FB0] =	sst s2  }
0xb: {  	[smem:$0x3FB1] =	sst s3  }
0xc: {  	[smem:$0x3FB2] =	sst s4  }
0xd: {  	[smem:$0x3FB3] =	sst s5  }
0xe: {  	[smem:$0x3FB4] =	sst s6  }
0xf: {  	[smem:$0x3FB5] =	sst s7  }
0x10: {  	[smem:$0x3FB6] =	sst s8  }
0x11: {  	[smem:$0x3FB7] =	sst s9;
	s0 =	simm.s32 @!p0 $0x0  }
0x12: {  	s1 =	sld [smem:$0x3F9D];
	s0 =	simm.s32 @p0 $0x1  }
0x13: {  	[smem:$0x3FB8] =	sst s0;
	s0 =	simm.s32 @!p1 $0x0  }
0x14: {  	s2 =	sld [smem:$0x3F9C];
	s0 =	simm.s32 @p1 $0x1  }
0x15: {  	[smem:$0x3FB9] =	sst s0;
	s0 =	simm.s32 @!p2 $0x0  }
0x16: {  	s3 =	sld [smem:$0x3FDB];
	s0 =	simm.s32 @p2 $0x1  }
0x17: {  	s4 =	simm.s32 $0x1BF5;
	[smem:$0x3FBB] =	sst s0  }
0x18: {  	s0 =	sld [smem:$0x3F9E];
	_ =	swait.ge [sflag:s4], $0x0  }
0x19: {  	s7 =	sld [smem:$0x3F9F]  }
0x1a: {  	s8 =	sadd.s32 $0xFFFFE003, lr  }
0x1b: {  	s9 =	sadd.s32 $0xFFFFFEF7, lr;
	s5 =	simm.s32 $0xFFFFFFFF;
	p2 =	slt.u32 s8, $0xFFFFF086  }
0x1c: {  	p1 =	slt.u32 s9, $0xF7A;
	s5 =	simm.s32 @!p2 $0x0  }
0x1d: {  	s5 =	simm.s32 @p1 $0x1;
	p0 =	seq.s32 s7, s2  }
0x1e: {  	s7 =	smul.u32 @!p0 $0xF7A, s2;
	p2 =	seq.s32 @!p0 s5, $0x0  }
0x1f: {  	s9 =	smul.u32 $0xF7A, s1;
	s8 =	simm.s32 @!p0 $0x1BF5;
	p2 =	por !p2, p0  }
0x20: {  	[sflag:s8] =	ssyncset.s32 @!p0 $0xFFFFF086;
	s6 =	sadd.s32 @!p0 s3, s7;
	s7 =	simm.s32 @!p0 $0x108  }
0x21: {  	s3 =	sadd.s32 s3, s9;
	s6 =	sadd.s32 @!p0 $0x88, s6;
	s7 =	simm.s32 @p2 $0x1082  }
0x22: {  	[simem:s7], [sflag:s8] =	dma.local @!p0 [hbm:s6], $0xF7A  }
0x23: {  	s9 =	sor.u32 $0xD0000000, s2;
	s6 =	simm.s32 $0x108;
	_ =	swait.ge @!p0 [sflag:s8], $0x0  }
0x24: {  	s3 =	sadd.s32 $0x88, s3;
	s6 =	simm.s32 @!p1 $0x1082;
	[sflag:s4] =	ssyncset.s32 $0xFFFFF086  }
0x25: {  	[simem:s6], [sflag:s4] =	dma.local [hbm:s3], $0xF7A  }
0x26: {  	[smem:$0x3F9F] =	sst s1;
	(tag) =	ssettag s2;
	_ =	strace s9  }
0x27: {  	s1 =	sld [smem:$0x3FAF]  }
0x28: {  	s2 =	sld [smem:$0x3FB0]  }
0x29: {  	s4 =	sld [smem:$0x3FB2]  }
0x2a: {  	p0 =	seq.s32 s5, $0x0;
	s5 =	sld [smem:$0x3FB3]  }
0x2b: {  	s6 =	sld [smem:$0x3FB4]  }
0x2c: {  	s7 =	sld [smem:$0x3FB5]  }
0x2d: {  	s3 =	simm.s32 $0x108;
	s8 =	sld [smem:$0x3FB6]  }
0x2e: {  	s3 =	simm.s32 @!p0 $0x1082;
	s9 =	sld [smem:$0x3FB7]  }
0x2f: {  	lr =	sadd.s32 s0, s3;
	s0 =	sld [smem:$0x3FAE]  }
0x30: {  	s3 =	sld [smem:$0x3FB1]  }
0x31: {  	[smem:$0x3FBA] =	sst s10  }
0x32: {  	s10 =	sld [smem:$0x3FB8];
	_ =	sdelay $0x3  }
0x33: {  	p0 =	seq.s32 s10, $0x1;
	s10 =	sld [smem:$0x3FBA];
	_ =	sdelay $0x3  }
0x34: {  	[smem:$0x3FBA] =	sst s10  }
0x35: {  	s10 =	sld [smem:$0x3FB9];
	_ =	sdelay $0x3  }
0x36: {  	p1 =	seq.s32 s10, $0x1;
	s10 =	sld [smem:$0x3FBA];
	_ =	sdelay $0x3  }
0x37: {  	[smem:$0x3FBA] =	sst s10  }
0x38: {  	s10 =	sld [smem:$0x3FBB]  }
0x39: {  	_ = 	snop;
	(pc) =	sbr.ind lr, $3  }
0x3a: {  	_ = 	snop  }
0x3b: {  	_ = 	snop  }
0x3c: {  	p2 =	seq.s32 s10, $0x1;
	s10 =	sld [smem:$0x3FBA]  }
0x3d: {  	_ =	shalt  }
0x3e: {  	_ =	shalt  }
0x3f: {  	_ =	shalt  }
0x40: {  	_ =	shalt  }
0x41: {  	_ =	shalt  }
0x42: {  	_ =	shalt  }
0x43: {  	_ =	shalt  }
0x44: {  	_ =	shalt  }
0x45: {  	_ =	shalt  }
0x46: {  	_ =	shalt  }
0x47: {  	_ =	shalt  }
0x48: {  	_ =	shalt  }
0x49: {  	_ =	shalt  }
0x4a: {  	_ =	shalt  }
0x4b: {  	_ =	shalt  }
0x4c: {  	_ =	shalt  }
0x4d: {  	_ =	shalt  }
0x4e: {  	_ =	shalt  }
0x4f: {  	_ =	shalt  }
0x50: {  	_ =	shalt  }
0x51: {  	_ =	shalt  }
0x52: {  	_ =	shalt  }
0x53: {  	_ =	shalt  }
0x54: {  	_ =	shalt  }
0x55: {  	_ =	shalt  }
0x56: {  	_ =	shalt  }
0x57: {  	_ =	shalt  }
0x58: {  	_ =	shalt  }
0x59: {  	_ =	shalt  }
0x5a: {  	_ =	shalt  }
0x5b: {  	_ =	shalt  }
0x5c: {  	_ =	shalt  }
0x5d: {  	_ =	shalt  }
0x5e: {  	_ =	shalt  }
0x5f: {  	_ =	shalt  }
0x60: {  	_ =	shalt  }
0x61: {  	_ =	shalt  }
0x62: {  	_ =	shalt  }
0x63: {  	_ =	shalt  }
0x64: {  	_ =	shalt  }
0x65: {  	_ =	shalt  }
0x66: {  	_ =	shalt  }
0x67: {  	_ =	shalt  }
0x68: {  	_ =	shalt  }
0x69: {  	_ =	shalt  }
0x6a: {  	_ =	shalt  }
0x6b: {  	_ =	shalt  }
0x6c: {  	_ =	shalt  }
0x6d: {  	_ =	shalt  }
0x6e: {  	_ =	shalt  }
0x6f: {  	_ =	shalt  }
0x70: {  	_ =	shalt  }
0x71: {  	_ =	shalt  }
0x72: {  	_ =	shalt  }
0x73: {  	_ =	shalt  }
0x74: {  	_ =	shalt  }
0x75: {  	_ =	shalt  }
0x76: {  	_ =	shalt  }
0x77: {  	_ =	shalt  }
0x78: {  	_ =	shalt  }
0x79: {  	_ =	shalt  }
0x7a: {  	_ =	shalt  }
0x7b: {  	_ =	shalt  }
0x7c: {  	_ =	shalt  }
0x7d: {  	_ =	shalt  }
0x7e: {  	_ =	shalt  }
0x7f: {  	_ =	shalt  }
0x80: {  	_ =	shalt  }
0x81: {  	_ =	shalt  }
0x82: {  	_ =	shalt  }
0x83: {  	_ =	shalt  }
0x84: {  	_ =	shalt  }
0x85: {  	_ =	shalt  }
0x86: {  	_ =	shalt  }
0x87: {  	_ =	shalt  }
.Lfunc_end0:
.L_simem_size_0:
called_computation_lowered:
.L_overlay_start_0:
0x88: {  	s2 =	sld [smem:$0x3FD9]  }
0x89: {  	s3 =	sld [smem:$0x3FFE];
	_ =	sdelay $0x1  }
0x8a: {  	s1 =	srdreg.scid  }
0x8b: {  	s0 =	sand.u32 $0x1, s1  }
0x8c: {  	s14 =	sshll.u32 s0, $0xA;
	s2 =	sadd.s32 s3, s2  }
0x8d: {  	s2 =	sadd.s32 s2, s14  }
0x8e: {  	[smem:$0x3FC6] =	sst s2  }
0x8f: {  	_ = 	snop  }
0x90: {  	s2 =	sld [smem:$0x3FD0];
	_ =	sdelay $0x2  }
0x91: {  	s4 =	simm.s32 $0xA;
	s5 =	simm.s32 $0x10;
	s15 =	sld [smem:$0x3FC8]  }
0x92: {  	[smem:s5], [sflag:s4] =	dma.local [hbm:s2], $0x1  }
0x93: {  	_ =	swait.eq [sflag:s4], $0x1  }
0x94: {  	[sflag:s4] =	ssyncset.done $0x0  }
0x95: {  	s16 =	sld [smem:$0x10];
	[sflag:s4] =	ssyncadd.s32 $0xFFFFFFFF  }
0x96: {  	s17 =	sld [smem:$0x11];
	(tm) =	ssettm $0x1  }
0x97: {  	s18 =	sld [smem:$0x3FFB];
	_ =	sdelay $0x3  }
0x98: {  	_ =	strace s18  }
0x99: {  	s5 =	sld [smem:$0x3FFC];
	_ =	sdelay $0x3  }
0x9a: {  	_ =	strace s5  }
0x9b: {  	s5 =	sld [smem:$0x3FFD];
	_ =	sdelay $0x3  }
0x9c: {  	_ =	strace s5  }
0x9d: {  	_ =	strace $0x8FFFFFFF  }
0x9e: {  	s19 =	sld [smem:$0x3FDB];
	_ =	sdelay $0x1  }
0x9f: {  	s6 =	simm.s32 $_scs_section_size  }
0xa0: {  	s7 =	simm.s32 $_size__tile_overlayer_lowered;
	s8 =	simm.s32 $_tile_overlayer_lowered  }
0xa1: {  	s22 =	simm.s32 $0x1BFF;
	s21 =	sshll.u32 s8, $0x1;
	s5 =	sadd.s32 s6, s19  }
0xa2: {  	s9 =	simm.s32 $0x0;
	s20 =	sshll.u32 s7, $0x1;
	s7 =	sadd.s32 s21, s5  }
0xa3: {  	[timem:s9], [sflag:s22] =	dma.local [hbm:s7], s20  }
0xa4: {  	_ =	swait.ge [sflag:s22], s20  }
0xa5: {  	s6 =	ssub.s32 $0x0, s20;
	[sflag:s22] =	ssyncset.done $0x0  }
0xa6: {  	[sflag:s22] =	ssyncadd.s32 s6;
	_ =	sdelay $0x1  }
0xa7: {  	s23 =	simm.s32 $0x1B8B  }
0xa8: {  	_ =	swait.ge [sflag:s23], $0x1  }
0xa9: {  	[sflag:s23] =	ssyncset.done $0x0  }
0xaa: {  	s25 =	simm.s32 $0x1B8E;
	s24 =	sld [smem:$0x3FFE];
	[sflag:s23] =	ssyncadd.s32 $0xFFFFFFFF  }
0xab: {  	s26 =	simm.s32 $execute0_lowered;
	[smem:$0x3FD2] =	sst s25  }
0xac: {  	s7 =	sshll.u32 s26, $0x1;
	_ =	strace $0x80000046;
	[dreg:$0x1] =	wrdreg $0xFFFFFFFF  }
0xad: {  	s28 =	simm.s32 $_size_execute0_lowered;
	s5 =	sadd.s32 s5, s7;
	[dreg:$0x0] =	wrdreg $0x0  }
0xae: {  	s7 =	sshll.u32 s28, $0x1;
	[dreg:$0x2] =	wrdreg s5  }
0xaf: {  	[dreg:$0x3] =	wrdreg s7  }
0xb0: {  	[dreg:$0x4] =	wrdreg $0xC0  }
0xb1: {  	_ =	task [dreg:s9], $0x5FFFF  }
0xb2: {  	[dreg:$0x1] =	wrdreg $0xFFFFFFFF  }
0xb3: {  	[dreg:$0x0] =	wrdreg $0x60  }
0xb4: {  	[dreg:$0x2] =	wrdreg s15  }
0xb5: {  	[dreg:$0x3] =	wrdreg s24  }
0xb6: {  	[dreg:$0x4] =	wrdreg s16  }
0xb7: {  	[dreg:$0x5] =	wrdreg s17  }
0xb8: {  	[dreg:$0x6] =	wrdreg $0x9  }
0xb9: {  	_ =	task.clear_ibuf [dreg:s9], $0x7FFFF;
	_ =	strace $0x90000046  }
0xba: {  	s29 =	simm.s32 $0x9;
	_ =	strace $0x80000048  }
0xbb: {  	_ =	swait.ge [sflag:s29], $0x1  }
0xbc: {  	[sflag:s29] =	ssyncadd.s32 $0xFFFFFFFF  }
0xbd: {  	_ =	strace $0x90000048  }
0xbe: {  	_ =	sfence  }
0xbf: {  	s30 =	sld [smem:$0x0];
	_ =	sdelay $0x2  }
0xc0: {  	s31 =	sshll.u32 s1, $0xD;
	s1 =	sshrl.u32 s1, $0x2  }
0xc1: {  	s3 =	sand.u32 $0x4000, s31;
	s1 =	sadd.s32 s1, s30  }
0xc2: {  	s0 =	sor.u32 s3, s0;
	s1 =	sshll.u32 s1, $0x11  }
0xc3: {  	s0 =	sor.u32 s1, s0  }
0xc4: {  	s0 =	sadd.s32 $0x8F2B, s0  }
0xc5: {  	[sflag:s0] =	ssyncadd.remote.s32 $0x1  }
0xc6: {  	_ =	sfence.sel $0xFFFF  }
0xc7: {  	[dreg:$0x0] =	wrdreg $0xFFFFFFFF;
	(pc) =	sbr.abs _section_cstart, $3  }
0xc8: {  	[dreg:$0x1] =	wrdreg $0xFFFFFFFF  }
0xc9: {  	_ =	task.clear_ibuf [dreg:s9], $0x2FFFF;
	_ =	strace $0x9FFFFFFF  }
0xca: {  	(tm) =	ssettm $0x7FFFFFFF  }
0xcb: {  	_ =	shalt  }
tec
execute0_lowered:
.L_overlay_start_1:
0x0: {  	(tag) =	ssettag $0x1  }
0x1: {  	s13 =	rddreg [dreg:$0x0]  }
0x2: {  	s1 =	srdreg.scid;
	s5 =	rddreg [dreg:$0x1]  }
0x3: {  	s0 =	stileid.u32;
	s15 =	rddreg [dreg:$0x2]  }
0x4: {  	s8 =	rddreg [dreg:$0x3];
	s2 =	simm.s32 $0x0;
	s18 =	simm.s32 $0x2000  }
0x5: {  	s19 =	simm.s32 $0x1;
	s3 =	sand.u32 $0x1, s1;
	s20 =	sshll.u32 s0, $0x1  }
0x6: {  	[smem:$0x7FF] =	sst s2;
	s21 =	sshrl.u32 s0, $0x2;
	s23 =	sadd.s32 $0xA00, s5  }
0x7: {  	p0 =	sgt.u32 s0, $0x5;
	s4 =	sor.u32 s3, s20;
	s3 =	ssub.s32 $0x2, s3  }
0x8: {  	s22 =	sshll.u32 s21, $0x16;
	s25 =	sshll.u32 s21, $0x9;
	s1 =	smul.u32 $0x56, s4  }
0x9: {  	s20 =	simm.s32 $0x2;
	s11 =	sand.u32 $0x7, s4;
	s14 =	sshrl.u32 s3, $0x1  }
0xa: {  	s12 =	sshll.u32 s11, $0x13;
	s14 =	ssub.s32 s3, s14;
	s6 =	sshrl.u32 s1, $0x8  }
0xb: {  	s11 =	sshll.u32 s11, $0x11;
	s1 =	rddreg [dreg:$0x4];
	s7 =	smul.u32 $0xFFFFFFFD, s6  }
0xc: {  	_ =	strace $0x80000047;
	s16 =	sor.u32 s22, s12;
	s9 =	smul.u32 $0xC000, s6  }
0xd: {  	s22 =	simm.s32 $0x4;
	s24 =	sshrl.u32 s16, $0x3;
	s17 =	smul.u32 $0x3000, s6  }
0xe: {  	s6 =	sshll.u32 s6, $0x9;
	s29 =	sor.u32 $0xC000, s16;
	s30 =	sor.u32 $0x8000, s16  }
0xf: {  	s3 =	sadd.s32 s13, s24;
	s6 =	sadd.s32 s23, s6;
	s12 =	sshrl.u32 s29, $0x3  }
0x10: {  	s7 =	sadd.s32 s4, s7;
	s4 =	sadd.s32 s23, s25;
	s12 =	sadd.s32 s12, s13  }
0x11: {  	s23 =	simm.s32 $0x0;
	s10 =	sshll.u32 s7, $0xE;
	s7 =	sshll.u32 s7, $0xC  }
0x12: {  	s9 =	sadd.s32 s9, s10;
	s10 =	sshll.u32 s21, $0x14;
	s7 =	sadd.s32 s17, s7  }
0x13: {  	s21 =	simm.s32 $0x3;
	s9 =	sshrl.u32 s9, $0x3;
	s26 =	sshrl.u32 s7, $0x3  }
0x14: {  	s28 =	sor.u32 s11, s10;
	s9 =	sadd.s32 s9, s5;
	s5 =	sadd.s32 $0x800, s3  }
0x15: {  	s8 =	sadd.s32 s8, s26;
	s10 =	sor.u32 $0x1E000, s28;
	s11 =	sor.u32 $0x1F000, s28  }
0x16: {  	s31 =	sor.u32 $0x1000, s28;
	s17 =	sshrl.u32 s28, $0x3;
	s7 =	sadd.s32 $0x1200, s9  }
0x17: {  	s9 =	smax.u32 s14, $0x1;
	s10 =	sshrl.u32 s10, $0x3;
	s11 =	sshrl.u32 s11, $0x3  }
0x18: {  	s14 =	sshrl.u32 s30, $0x3;
	s16 =	sshrl.u32 s31, $0x3;
	s10 =	sadd.s32 s15, s10  }
0x19: {  	s11 =	sadd.s32 s15, s11;
	s13 =	sadd.s32 s14, s13;
	s14 =	sadd.s32 s16, s15  }
0x1a: {  	s15 =	sadd.s32 s17, s15;
	s16 =	simm.s32 $0x5;
	s17 =	simm.s32 $0x1000  }
.LBB2_1:
0x1b: {  	[tilespmem:s2], [sflag:$0x5] =	stream.linear.gather [hbm4b:s4+s2], $0x1000, $0x38;
	[tilespmem:$0x3000] =	vst v63  }
0x1c: {  	_ =	swait.ge [sflag:s16], $0x1000  }
0x1d: {  	[sflag:s16] =	ssyncset.done $0x0  }
0x1e: {  	[sflag:s16] =	ssyncadd.s32 $0xFFFFF000  }
0x1f: {  	[tilespmem:s17], [sflag:$0x1] =	stream.indirect.gather [hbm4b:s3+s17], $0x1, s2, s17, $0xb8;
	[tilespmem:$0x3000] =	vst v63  }
0x20: {  	_ = 	snop  }
0x21: {  	[tilespmem:s18], [sflag:$0x2] =	stream.indirect.gather [hbm4b:s5+s17], $0x1, s2, s17, $0xb8;
	[tilespmem:$0x3000] =	vst v63  }
0x22: {  	_ =	swait.ge [sflag:s19], $0x1000  }
0x23: {  	[sflag:s19] =	ssyncset.done $0x0  }
0x24: {  	s24 =	sadd.s32 $0x0, s15;
	[sflag:s19] =	ssyncadd.s32 $0xFFFFF000  }
0x25: {  	[hbm4b:s24+s2] =	stream.linear.scatter [tilespmem:s17], [sflag:$0x3], $0x1000, $0x38;
	[tilespmem:$0x3000] =	vst v63  }
0x26: {  	_ =	swait.ge [sflag:s20], $0x1000  }
0x27: {  	[sflag:s20] =	ssyncset.done $0x0  }
0x28: {  	s31 =	sadd.s32 $0x0, s14;
	[sflag:s20] =	ssyncadd.s32 $0xFFFFF000  }
0x29: {  	[hbm4b:s31+s2] =	stream.linear.scatter [tilespmem:s18], [sflag:$0x4], $0x1000, $0x38;
	[tilespmem:$0x3000] =	vst v63  }
0x2a: {  	_ =	swait.ge [sflag:s21], $0x1000  }
0x2b: {  	[sflag:s21] =	ssyncset.done $0x0  }
0x2c: {  	[sflag:s21] =	ssyncadd.s32 $0xFFFFF000  }
0x2d: {  	[tilespmem:s17], [sflag:$0x1] =	stream.indirect.gather [hbm4b:s13+s17], $0x1, s2, s17, $0xb8;
	[tilespmem:$0x3000] =	vst v63  }
0x2e: {  	_ =	swait.ge [sflag:s22], $0x1000  }
0x2f: {  	s25 =	sadd.s32 $0x1000, s12;
	s26 =	sadd.s32 $0x1000, s13;
	[sflag:s22] =	ssyncset.done $0x0  }
0x30: {  	s28 =	smov.u32 s12;
	s24 =	simm.s32 $0x400;
	[sflag:s22] =	ssyncadd.s32 $0xFFFFF000  }
.LBB2_2:
0x31: {  	[tilespmem:s18], [sflag:$0x2] =	stream.indirect.gather [hbm4b:s28+s17], $0x1, s2, s17, $0xb8;
	[tilespmem:$0x3000] =	vst v63  }
0x32: {  	s29 =	smov.u32 s24;
	s28 =	smov.u32 s25  }
0x33: {  	p1 =	sne.s32 s24, $0x3800;
	s24 =	sadd.s32 $0x400, s24;
	_ =	swait.ge [sflag:s19], $0x1000  }
0x34: {  	[sflag:s19] =	ssyncset.done $0x0  }
0x35: {  	s30 =	sadd.s32 s29, s15;
	[sflag:s19] =	ssyncadd.s32 $0xFFFFF000  }
0x36: {  	[hbm4b:s30+s2] =	stream.linear.scatter [tilespmem:s17], [sflag:$0x3], $0x1000, $0x38;
	[tilespmem:$0x3000] =	vst v63  }
0x37: {  	_ =	swait.ge [sflag:s20], $0x1000  }
0x38: {  	[sflag:s20] =	ssyncset.done $0x0  }
0x39: {  	s29 =	sadd.s32 s29, s14;
	[sflag:s20] =	ssyncadd.s32 $0xFFFFF000  }
0x3a: {  	[hbm4b:s29+s2] =	stream.linear.scatter [tilespmem:s18], [sflag:$0x4], $0x1000, $0x38;
	[tilespmem:$0x3000] =	vst v63  }
0x3b: {  	_ =	swait.ge [sflag:s21], $0x1000  }
0x3c: {  	[sflag:s21] =	ssyncset.done $0x0  }
.Ltmp0:
0x3d: {  	[sflag:s21] =	ssyncadd.s32 $0xFFFFF000;
	(pc) =	sbr.rel @p1 .LBB2_2-.Ltmp0, $4  }
0x3e: {  	[tilespmem:s17], [sflag:$0x1] =	stream.indirect.gather [hbm4b:s26+s17], $0x1, s2, s17, $0xb8;
	[tilespmem:$0x3000] =	vst v63  }
0x3f: {  	_ =	swait.ge [sflag:s22], $0x1000  }
0x40: {  	[sflag:s22] =	ssyncset.done $0x0  }
0x41: {  	s25 =	sadd.s32 $0x1000, s25;
	s26 =	sadd.s32 $0x1000, s26;
	[sflag:s22] =	ssyncadd.s32 $0xFFFFF000  }
0x42: {  	[tilespmem:s18], [sflag:$0x2] =	stream.indirect.gather [hbm4b:s28+s17], $0x1, s2, s17, $0xb8;
	[tilespmem:$0x3000] =	vst v63  }
0x43: {  	_ =	swait.ge [sflag:s19], $0x1000  }
0x44: {  	[sflag:s19] =	ssyncset.done $0x0  }
0x45: {  	[sflag:s19] =	ssyncadd.s32 $0xFFFFF000  }
0x46: {  	[hbm4b:s10+s2] =	stream.linear.scatter [tilespmem:s17], [sflag:$0x3], $0x1000, $0x38;
	[tilespmem:$0x3000] =	vst v63  }
0x47: {  	_ =	swait.ge [sflag:s20], $0x1000  }
0x48: {  	[sflag:s20] =	ssyncset.done $0x0  }
0x49: {  	[sflag:s20] =	ssyncadd.s32 $0xFFFFF000  }
0x4a: {  	[hbm4b:s11+s2] =	stream.linear.scatter [tilespmem:s18], [sflag:$0x4], $0x1000, $0x38;
	[tilespmem:$0x3000] =	vst v63  }
0x4b: {  	_ =	swait.ge [sflag:s21], $0x1000  }
0x4c: {  	[sflag:s21] =	ssyncset.done $0x0  }
0x4d: {  	[sflag:s21] =	ssyncadd.s32 $0xFFFFF000  }
0x4e: {  	_ =	swait.ge [sflag:s22], $0x1000  }
0x4f: {  	[sflag:s22] =	ssyncset.done $0x0  }
0x50: {  	s24 =	simm.s32 @!p0 $0x0;
	s25 =	simm.s32 @!p0 $0x5;
	[sflag:s22] =	ssyncadd.s32 $0xFFFFF000  }
0x51: {  	[tilespmem:s24], [sflag:$0x5] =	stream.linear.gather @!p0 [hbm4b:s6+s24], $0x1000, $0x38;
	[tilespmem:$0x3000] =	vst v63  }
0x52: {  	_ =	swait.ge @!p0 [sflag:s25], $0x1000  }
0x53: {  	[sflag:s25] =	ssyncset.done @!p0 $0x0  }
0x54: {  	s26 =	simm.s32 @!p0 $0x1000;
	s28 =	simm.s32 @!p0 $0x1;
	[sflag:s25] =	ssyncadd.s32 @!p0 $0xFFFFF000  }
0x55: {  	[tilespmem:s26], [sflag:$0x1] =	stream.indirect.gather @!p0 [hbm4b:s7+s26], $0x1, s24, s26, $0xb8;
	[tilespmem:$0x3000] =	vst v63  }
0x56: {  	s23 =	sadd.s32 $0x1, s23;
	_ =	swait.ge @!p0 [sflag:s28], $0x1000  }
0x57: {  	p1 =	sne.s32 s23, s9;
	[sflag:s28] =	ssyncset.done @!p0 $0x0  }
.Ltmp1:
0x58: {  	[sflag:s28] =	ssyncadd.s32 @!p0 $0xFFFFF000;
	(pc) =	sbr.rel @p1 .LBB2_1-.Ltmp1, $4  }
0x59: {  	[hbm4b:s8+s24] =	stream.linear.scatter @!p0 [tilespmem:s26], [sflag:$0x5], $0x1000, $0x38;
	[tilespmem:$0x3000] =	vst v63  }
0x5a: {  	_ =	swait.ge @!p0 [sflag:s25], $0x1000  }
0x5b: {  	[sflag:s25] =	ssyncset.done @!p0 $0x0  }
0x5c: {  	[sflag:s25] =	ssyncadd.s32 @!p0 $0xFFFFF000  }
0x5d: {  	_ =	sfence.sel $0x180000  }
0x5e: {  	[bflag:$0x0] =	sbarrier.arrive $0xFFFF  }
0x5f: {  	p0 =	sne.s32 s0, $0x0;
	_ =	strace $0x90000047  }
0x60: {  	s0 =	sadd.s32 @!p0 $0x100000, s1;
	[bflag:$0x2] =	sbarrier.arrive $0xFFFF  }
0x61: {  	[sflag:s0] =	ssyncadd.tile.s32 @!p0 $0x1;
	_ =	shalt  }
.Lfunc_end2:
_tile_overlayer_lowered:
.L_overlay_start_2:
0x62: {  	(tag) =	ssettag $0x2  }
0x63: {  	s0 =	rddreg [dreg:$0x0];
	s2 =	stileid.u32  }
0x64: {  	s1 =	rddreg [dreg:$0x1];
	p0 =	sne.s32 s2, $0x0  }
0x65: {  	s3 =	rddreg [dreg:$0x2];
	[bflag:$0x3] =	sbarrier.arrive $0xFFFF;
	s2 =	simm.s32 @!p0 $0x1C05  }
0x66: {  	[timem:s3], [sflag:s2] =	dma.local @!p0 [hbm:s0], s1  }
0x67: {  	s0 =	simm.s32 @!p0 $0x5  }
0x68: {  	_ =	swait.ge @!p0 [sflag:s0], s1  }
0x69: {  	s1 =	ssub.s32 @!p0 $0x0, s1;
	[sflag:s0] =	ssyncset.done @!p0 $0x0  }
0x6a: {  	[sflag:s0] =	ssyncadd.s32 @!p0 s1  }
0x6b: {  	[bflag:$0x3] =	sbarrier.arrive $0xFFFF  }
0x6c: {  	_ =	shalt  }

</sc_bundles>
